<compile_context>
chip_gen: v7x
topology: tpu7x:2x2x1
jax: 0.10.2.dev20260603
libtpu: 0.0.44.dev20260713+nightly
codegen_flags: <defaults>
</compile_context>

<pallas_src>
import functools

import jax
import jax.numpy as jnp
import numpy as np
from jax import lax
from jax.experimental import pallas as pl
from jax.experimental.pallas import tpu as pltpu
from jax.experimental.pallas import tpu_sc as plsc

F, N, D, K = 4, 1024, 256, 8192
KB = 4096
NK = K // KB

NC, NS = 2, 16
NW = NC * NS
CHUNK = (F * N) // NW


def _dist_body(x_ref, w_ref, cols_ref, idx_ref, wt_ref, xsq_ref, runmin, runarg):
    kb = pl.program_id(1)

    @pl.when(kb == 0)
    def _():
        x0 = x_ref[0]
        xsq_ref[...] = jnp.sum(x0 * x0, axis=1, keepdims=True)
        runmin[...] = jnp.full((N, 128), jnp.inf, jnp.float32)
        runarg[...] = jnp.zeros((N, 128), jnp.float32)

    x = x_ref[0]
    w = w_ref[0]
    wsq = jnp.sum(w * w, axis=0, keepdims=True)
    x2 = x * -2.0
    mm2 = jnp.dot(x2, w, preferred_element_type=jnp.float32)

    xsq = xsq_ref[...]
    cols = cols_ref[...]
    m = runmin[...]
    i = runarg[...]
    kbase = jnp.float32(kb * KB)
    for j in range(KB // 128):
        sl = slice(j * 128, (j + 1) * 128)
        s = (xsq + mm2[:, sl]) + wsq[:, sl]
        lt = s < m
        m = jnp.where(lt, s, m)
        i = jnp.where(lt, cols[:, sl] + kbase, i)
    runmin[...] = m
    runarg[...] = i

    wt_ref[...] = w.T

    @pl.when(kb == NK - 1)
    def _():
        f = pl.program_id(0)
        pm, pidx = runmin[...], runarg[...]
        bmin = jnp.min(pm, axis=1, keepdims=True)
        candf = jnp.where(pm == bmin, pidx, jnp.float32(K))
        barg = jnp.min(candf, axis=1, keepdims=True)
        idx_ref[...] = (barg.astype(jnp.int32) + f * K).reshape(N)


def _distance_argmin(inputs, w):
    cols = jnp.asarray(np.arange(KB, dtype=np.float32)[None, :])
    return pl.pallas_call(
        _dist_body,
        grid=(F, NK),
        in_specs=[
            pl.BlockSpec((1, N, D), lambda f, kb: (f, 0, 0)),
            pl.BlockSpec((1, D, KB), lambda f, kb: (f, 0, kb)),
            pl.BlockSpec((1, KB), lambda f, kb: (0, 0)),
        ],
        out_specs=[
            pl.BlockSpec((N,), lambda f, kb: (f,)),
            pl.BlockSpec((KB, D), lambda f, kb: (f * NK + kb, 0)),
        ],
        out_shape=[
            jax.ShapeDtypeStruct((F * N,), jnp.int32),
            jax.ShapeDtypeStruct((F * K, D), jnp.float32),
        ],
        scratch_shapes=[
            pltpu.VMEM((N, 1), jnp.float32),
            pltpu.VMEM((N, 128), jnp.float32),
            pltpu.VMEM((N, 128), jnp.float32),
        ],
        compiler_params=pltpu.CompilerParams(
            dimension_semantics=("parallel", "arbitrary"),
        ),
    )(inputs, w, cols)


@functools.cache
def _make_sc_gather():
    @functools.partial(
        pl.kernel,
        mesh=plsc.VectorSubcoreMesh(core_axis_name="c", subcore_axis_name="s"),
        out_type=jax.ShapeDtypeStruct((F * N, D), jnp.float32),
        scratch_types=[
            pltpu.VMEM((CHUNK,), jnp.int32),
            pltpu.VMEM((CHUNK, D), jnp.float32),
            pltpu.SemaphoreType.DMA,
        ],
    )
    def _sc_gather(wt_hbm, idx_hbm, out_hbm, idx_v, rows_v, sem):
        wid = lax.axis_index("s") * NC + lax.axis_index("c")
        base = wid * CHUNK
        pltpu.sync_copy(idx_hbm.at[pl.ds(base, CHUNK)], idx_v)
        pltpu.async_copy(wt_hbm.at[idx_v], rows_v, sem).wait()
        pltpu.sync_copy(rows_v, out_hbm.at[pl.ds(base, CHUNK)])

    return _sc_gather


def kernel(inputs, w):
    gidx, wt = _distance_argmin(inputs, w)
    out = _make_sc_gather()(wt, gidx)
    return out.reshape(F, N, D)

# --- scband reference (transcript-rebuilt; emitter-appended) ---
"""Pipeline reference for scband-vector-quantizer-ema-6021544149260 (READ-ONLY COPY).

The authoritative reference and input builder live on the scoring server;
editing this copy changes nothing except your own understanding.
"""

import jax, jax.numpy as jnp
import numpy as np

F = 4
N = 1024
D = 256  # embedding_dim
K = 8192  # num_embeddings
COMMITMENT_COST = 0.25


def setup_inputs(seed: int = 0) -> dict:
    key = jax.random.key(seed)
    k1, k2 = jax.random.split(key)
    inputs = jax.random.normal(k1, (F, N, D), dtype=jnp.float32)
    # he_uniform over shape [F, D, K]: fan_in = D
    limit = np.sqrt(6.0 / D)
    w = jax.random.uniform(k2, (F, D, K), dtype=jnp.float32, minval=-limit, maxval=limit)
    return {"inputs": inputs, "w": w}


def reference(inputs, w):
    # distances[f, n, k] = ||inputs[f,n]||^2 - 2 <inputs[f,n], w[f,:,k]> + ||w[f,:,k]||^2
    distances = (
        jnp.sum(inputs ** 2, axis=2, keepdims=True)
        - 2.0 * jnp.matmul(inputs, w)
        + jnp.sum(w ** 2, axis=1, keepdims=True)
    )  # [F, N, K]
    enc_idx = jnp.argmin(distances, axis=2)  # [F, N]
    # quantized = gather(transpose(w,[0,2,1]), enc_idx, axis=1, batch_dims=1)
    w_t = jnp.transpose(w, (0, 2, 1))  # [F, K, D]
    quantized = jnp.take_along_axis(w_t, enc_idx[:, :, None], axis=1)  # [F, N, D]
    # eval path (training=False): loss computed as side effect via add_loss; output is straight-through
    e_latent_loss = jnp.mean((jax.lax.stop_gradient(quantized) - inputs) ** 2)
    _ = COMMITMENT_COST * e_latent_loss  # side-effect loss in original keras layer
    output = inputs + jax.lax.stop_gradient(quantized - inputs)
    return output

if __name__ == "__main__":
    import jax
    _d = setup_inputs()
    print(jax.jit(kernel)(*tuple(_d.values())))

</pallas_src>

<mosaic_0001>
#map = affine_map<(d0, d1) -> (0, 0)>
#map1 = affine_map<(d0, d1) -> (0)>
module attributes {stable_mosaic.version = 14 : i64} {
  func.func @_sc_gather(%arg0: i32, %arg1: i32, %arg2: memref<32768x256xf32, #tpu.memory_space<hbm>>, %arg3: memref<4096xi32, #tpu.memory_space<hbm>>, %arg4: memref<4096x256xf32, #tpu.memory_space<hbm>>, %arg5: memref<128xi32, #tpu.memory_space<vmem>>, %arg6: memref<128x256xf32, #tpu.memory_space<vmem>>, %arg7: memref<!tpu.dma_semaphore, #tpu.memory_space<semaphore_mem>>) attributes {dimension_semantics = [#tpu.dimension_semantics<core_parallel>, #tpu.dimension_semantics<subcore_parallel>], iteration_bounds = array<i64: 2, 16>, scalar_prefetch = 0 : i64, scratch_operands = 3 : i64, tpu.core_type = #tpu.core_type<sc_vector_subcore>, window_params = [{transform_indices = #map}, {transform_indices = #map1}, {transform_indices = #map}]} {
    %mul3A = arith.constant 2 : i32
    %mul3A_0 = arith.muli %arg1, %mul3A : i32
    %add3A = arith.addi %mul3A_0, %arg0 : i32
    %mul3A_1 = arith.constant 128 : i32
    %mul3A_2 = arith.muli %add3A, %mul3A_1 : i32
    "tpu.region"() ({
      %run_scoped3A = tpu.sem_alloc : memref<!tpu.dma_semaphore, #tpu.memory_space<semaphore_mem>>
      %dma_start3A_7 = tpu.memref_slice %arg3[%mul3A_2] : memref<4096xi32, #tpu.memory_space<hbm>> -> memref<128xi32, #tpu.memory_space<hbm>>
      %dma_start3A_8 = tpu.memref_slice %arg3[%mul3A_2] : memref<4096xi32, #tpu.memory_space<hbm>> -> memref<128xi32, #tpu.memory_space<hbm>>
      tpu.enqueue_dma source(%dma_start3A_8 : memref<128xi32, #tpu.memory_space<hbm>>) target(%arg5 : memref<128xi32, #tpu.memory_space<vmem>>) target_semaphore(%run_scoped3A : memref<!tpu.dma_semaphore, #tpu.memory_space<semaphore_mem>>)
      %dma_wait3A_9 = tpu.memref_slice %arg3[%mul3A_2] : memref<4096xi32, #tpu.memory_space<hbm>> -> memref<128xi32, #tpu.memory_space<hbm>>
      %dma_wait3A_10 = tpu.memref_slice %arg3[%mul3A_2] : memref<4096xi32, #tpu.memory_space<hbm>> -> memref<128xi32, #tpu.memory_space<hbm>>
      tpu.wait_dma2 semaphore(%run_scoped3A : memref<!tpu.dma_semaphore, #tpu.memory_space<semaphore_mem>>) src(%dma_wait3A_10 : memref<128xi32, #tpu.memory_space<hbm>>) dst(%arg5 : memref<128xi32, #tpu.memory_space<vmem>>)
      tpu.yield
    }) : () -> ()
    %dma_start3A = arith.constant 0 : i32
    %dma_start3A_3 = arith.constant 0 : i32
    %dma_start3A_4 = tpu.memref_slice %arg2[%dma_start3A, %dma_start3A_3] : memref<32768x256xf32, #tpu.memory_space<hbm>> -> memref<32768x256xf32, #tpu.memory_space<hbm>>
    tpu.enqueue_indirect_dma source(%dma_start3A_4 : memref<32768x256xf32, #tpu.memory_space<hbm>>) target(%arg6 : memref<128x256xf32, #tpu.memory_space<vmem>>) offsets(%arg5 : memref<128xi32, #tpu.memory_space<vmem>>) semaphore(%arg7 : memref<!tpu.dma_semaphore, #tpu.memory_space<semaphore_mem>>)
    %dma_wait3A = arith.constant 0 : i32
    %dma_wait3A_5 = arith.constant 0 : i32
    %dma_wait3A_6 = tpu.memref_slice %arg2[%dma_wait3A, %dma_wait3A_5] : memref<32768x256xf32, #tpu.memory_space<hbm>> -> memref<32768x256xf32, #tpu.memory_space<hbm>>
    tpu.wait_indirect_dma semaphore(%arg7 : memref<!tpu.dma_semaphore, #tpu.memory_space<semaphore_mem>>) src(%dma_wait3A_6 : memref<32768x256xf32, #tpu.memory_space<hbm>>) dst(%arg6 : memref<128x256xf32, #tpu.memory_space<vmem>>)
    "tpu.region"() ({
      %run_scoped3A = tpu.sem_alloc : memref<!tpu.dma_semaphore, #tpu.memory_space<semaphore_mem>>
      %dma_start3A_7 = arith.constant 0 : i32
      %dma_start3A_8 = tpu.memref_slice %arg4[%mul3A_2, %dma_start3A_7] : memref<4096x256xf32, #tpu.memory_space<hbm>> -> memref<128x256xf32, #tpu.memory_space<hbm>>
      %dma_start3A_9 = arith.constant 0 : i32
      %dma_start3A_10 = tpu.memref_slice %arg4[%mul3A_2, %dma_start3A_9] : memref<4096x256xf32, #tpu.memory_space<hbm>> -> memref<128x256xf32, #tpu.memory_space<hbm>>
      tpu.enqueue_dma source(%arg6 : memref<128x256xf32, #tpu.memory_space<vmem>>) target(%dma_start3A_10 : memref<128x256xf32, #tpu.memory_space<hbm>>) target_semaphore(%run_scoped3A : memref<!tpu.dma_semaphore, #tpu.memory_space<semaphore_mem>>)
      %dma_wait3A_11 = arith.constant 0 : i32
      %dma_wait3A_12 = tpu.memref_slice %arg4[%mul3A_2, %dma_wait3A_11] : memref<4096x256xf32, #tpu.memory_space<hbm>> -> memref<128x256xf32, #tpu.memory_space<hbm>>
      %dma_wait3A_13 = arith.constant 0 : i32
      %dma_wait3A_14 = tpu.memref_slice %arg4[%mul3A_2, %dma_wait3A_13] : memref<4096x256xf32, #tpu.memory_space<hbm>> -> memref<128x256xf32, #tpu.memory_space<hbm>>
      tpu.wait_dma2 semaphore(%run_scoped3A : memref<!tpu.dma_semaphore, #tpu.memory_space<semaphore_mem>>) src(%arg6 : memref<128x256xf32, #tpu.memory_space<vmem>>) dst(%dma_wait3A_14 : memref<128x256xf32, #tpu.memory_space<hbm>>)
      tpu.yield
    }) : () -> ()
    return
  }
}

module attributes {stable_mosaic.version = 14 : i64} {
  func.func @_dist_body(%arg0: i32, %arg1: i32, %arg2: memref<1x1024x256xf32, #tpu.memory_space<vmem>>, %arg3: memref<1x256x4096xf32, #tpu.memory_space<vmem>>, %arg4: memref<1x4096xf32, #tpu.memory_space<vmem>>, %arg5: memref<1024xi32, #tpu.memory_space<vmem>>, %arg6: memref<4096x256xf32, #tpu.memory_space<vmem>>, %arg7: memref<1024x1xf32, #tpu.memory_space<vmem>>, %arg8: memref<1024x128xf32, #tpu.memory_space<vmem>>, %arg9: memref<1024x128xf32, #tpu.memory_space<vmem>>) attributes {dimension_semantics = [#tpu.dimension_semantics<parallel>, #tpu.dimension_semantics<arbitrary>], iteration_bounds = array<i64: 4, 2>, scalar_prefetch = 0 : i64, scratch_operands = 3 : i64, tpu.core_type = #tpu.core_type<tc>, window_params = [{transform_indices = @transform_0, window_bounds = array<i64: 1, 1024, 256>}, {transform_indices = @transform_1, window_bounds = array<i64: 1, 256, 4096>}, {pipeline_mode = #tpu.pipeline_mode<synchronous>, transform_indices = @transform_2, window_bounds = array<i64: 1, 4096>}, {transform_indices = @transform_3, window_bounds = array<i64: 1024>}, {transform_indices = @transform_4, window_bounds = array<i64: 4096, 256>}]} {
    %eq3A = arith.constant 0 : i32
    %eq3A_0 = arith.cmpi eq, %arg1, %eq3A : i32
    %convert_element_type3A = arith.extui %eq3A_0 : i1 to i32
    %cond3A = arith.constant 0 : i32
    %cond3A_1 = arith.cmpi ne, %convert_element_type3A, %cond3A : i32
    scf.if %cond3A_1 {
      %get3A_488 = arith.constant 0 : index
      %get3A_489 = arith.constant 0 : index
      %get3A_490 = arith.constant 0 : index
      %get3A_491 = vector.load %arg2[%get3A_488, %get3A_489, %get3A_490] : memref<1x1024x256xf32, #tpu.memory_space<vmem>>, vector<1x1024x256xf32>
      %get3A_492 = vector.shape_cast %get3A_491 : vector<1x1024x256xf32> to vector<1024x256xf32>
      %mul3A_493 = arith.mulf %get3A_492, %get3A_492 : vector<1024x256xf32>
      %reduce_sum3A_494 = arith.constant dense<0.000000e+00> : vector<1024xf32>
      %reduce_sum3A_495 = vector.multi_reduction <add>, %mul3A_493, %reduce_sum3A_494 [1] : vector<1024x256xf32> to vector<1024xf32>
      %broadcast_in_dim3A_496 = vector.shape_cast %reduce_sum3A_495 : vector<1024xf32> to vector<1024x1xf32>
      %swap3A_497 = arith.constant 0 : index
      %swap3A_498 = arith.constant 0 : index
      %swap3A_499 = vector.load %arg7[%swap3A_497, %swap3A_498] : memref<1024x1xf32, #tpu.memory_space<vmem>>, vector<1024x1xf32>
      tpu.vector_store %arg7[%swap3A_497, %swap3A_498], %broadcast_in_dim3A_496 {strides = array<i32>} : memref<1024x1xf32, #tpu.memory_space<vmem>>, vector<1024x1xf32>,
      %broadcast_in_dim3A_500 = arith.constant 0x7F800000 : f32
      %broadcast_in_dim3A_501 = vector.broadcast %broadcast_in_dim3A_500 : f32 to vector<1024x128xf32>
      %swap3A_502 = arith.constant 0 : index
      %swap3A_503 = arith.constant 0 : index
      %swap3A_504 = vector.load %arg8[%swap3A_502, %swap3A_503] : memref<1024x128xf32, #tpu.memory_space<vmem>>, vector<1024x128xf32>
      tpu.vector_store %arg8[%swap3A_502, %swap3A_503], %broadcast_in_dim3A_501 {strides = array<i32>} : memref<1024x128xf32, #tpu.memory_space<vmem>>, vector<1024x128xf32>,
      %broadcast_in_dim3A_505 = arith.constant 0.000000e+00 : f32
      %broadcast_in_dim3A_506 = vector.broadcast %broadcast_in_dim3A_505 : f32 to vector<1024x128xf32>
      %swap3A_507 = arith.constant 0 : index
      %swap3A_508 = arith.constant 0 : index
      %swap3A_509 = vector.load %arg9[%swap3A_507, %swap3A_508] : memref<1024x128xf32, #tpu.memory_space<vmem>>, vector<1024x128xf32>
      tpu.vector_store %arg9[%swap3A_507, %swap3A_508], %broadcast_in_dim3A_506 {strides = array<i32>} : memref<1024x128xf32, #tpu.memory_space<vmem>>, vector<1024x128xf32>,
    } else {
    }
    %get3A = arith.constant 0 : index
    %get3A_2 = arith.constant 0 : index
    %get3A_3 = arith.constant 0 : index
    %get3A_4 = vector.load %arg2[%get3A, %get3A_2, %get3A_3] : memref<1x1024x256xf32, #tpu.memory_space<vmem>>, vector<1x1024x256xf32>
    %get3A_5 = vector.shape_cast %get3A_4 : vector<1x1024x256xf32> to vector<1024x256xf32>
    %get3A_6 = arith.constant 0 : index
    %get3A_7 = arith.constant 0 : index
    %get3A_8 = arith.constant 0 : index
    %get3A_9 = vector.load %arg3[%get3A_6, %get3A_7, %get3A_8] : memref<1x256x4096xf32, #tpu.memory_space<vmem>>, vector<1x256x4096xf32>
    %get3A_10 = vector.shape_cast %get3A_9 : vector<1x256x4096xf32> to vector<256x4096xf32>
    %mul3A = arith.mulf %get3A_10, %get3A_10 : vector<256x4096xf32>
    %reduce_sum3A = arith.constant dense<0.000000e+00> : vector<4096xf32>
    %reduce_sum3A_11 = vector.multi_reduction <add>, %mul3A, %reduce_sum3A [0] : vector<256x4096xf32> to vector<4096xf32>
    %broadcast_in_dim3A = vector.shape_cast %reduce_sum3A_11 : vector<4096xf32> to vector<1x4096xf32>
    %mul3A_12 = arith.constant -2.000000e+00 : f32
    %mul3A_13 = vector.broadcast %mul3A_12 : f32 to vector<1024x256xf32>
    %mul3A_14 = arith.mulf %get3A_5, %mul3A_13 : vector<1024x256xf32>
    %dot_general3A = arith.constant dense<0.000000e+00> : vector<1024x4096xf32>
    %dot_general3A_15 = tpu.matmul %mul3A_14, %get3A_10, %dot_general3A {dimension_numbers = #tpu.dot_dimension_numbers<[1], [0], [0], [1], [0, 0, 1, 1], [], []>, transpose_lhs_hint = false} : vector<1024x256xf32>, vector<256x4096xf32>, vector<1024x4096xf32> -> vector<1024x4096xf32>
    %get3A_16 = arith.constant 0 : index
    %get3A_17 = arith.constant 0 : index
    %get3A_18 = vector.load %arg7[%get3A_16, %get3A_17] : memref<1024x1xf32, #tpu.memory_space<vmem>>, vector<1024x1xf32>
    %get3A_19 = arith.constant 0 : index
    %get3A_20 = arith.constant 0 : index
    %get3A_21 = vector.load %arg4[%get3A_19, %get3A_20] : memref<1x4096xf32, #tpu.memory_space<vmem>>, vector<1x4096xf32>
    %get3A_22 = arith.constant 0 : index
    %get3A_23 = arith.constant 0 : index
    %get3A_24 = vector.load %arg8[%get3A_22, %get3A_23] : memref<1024x128xf32, #tpu.memory_space<vmem>>, vector<1024x128xf32>
    %get3A_25 = arith.constant 0 : index
    %get3A_26 = arith.constant 0 : index
    %get3A_27 = vector.load %arg9[%get3A_25, %get3A_26] : memref<1024x128xf32, #tpu.memory_space<vmem>>, vector<1024x128xf32>
    %mul3A_28 = arith.constant 4096 : i32
    %mul3A_29 = arith.muli %arg1, %mul3A_28 : i32
    %convert_element_type3A_30 = arith.sitofp %mul3A_29 : i32 to f32
    %slice3A = vector.extract_strided_slice %dot_general3A_15 {offsets = [0, 0], sizes = [1024, 128], strides = [1, 1]} : vector<1024x4096xf32> to vector<1024x128xf32>
    %add3A = vector.broadcast %get3A_18 : vector<1024x1xf32> to vector<1024x128xf32>
    %add3A_31 = arith.addf %add3A, %slice3A : vector<1024x128xf32>
    %slice3A_32 = vector.extract_strided_slice %broadcast_in_dim3A {offsets = [0, 0], sizes = [1, 128], strides = [1, 1]} : vector<1x4096xf32> to vector<1x128xf32>
    %add3A_33 = vector.broadcast %slice3A_32 : vector<1x128xf32> to vector<1024x128xf32>
    %add3A_34 = arith.addf %add3A_31, %add3A_33 : vector<1024x128xf32>
    %lt3A = arith.cmpf olt, %add3A_34, %get3A_24 : vector<1024x128xf32>
    %select_n3A = arith.select %lt3A, %add3A_34, %get3A_24 : vector<1024x128xi1>, vector<1024x128xf32>
    %slice3A_35 = vector.extract_strided_slice %get3A_21 {offsets = [0, 0], sizes = [1, 128], strides = [1, 1]} : vector<1x4096xf32> to vector<1x128xf32>
    %add3A_36 = vector.broadcast %convert_element_type3A_30 : f32 to vector<1x128xf32>
    %add3A_37 = arith.addf %slice3A_35, %add3A_36 : vector<1x128xf32>
    %broadcast_in_dim3A_38 = vector.shape_cast %add3A_37 : vector<1x128xf32> to vector<1x128xf32>
    %broadcast_in_dim3A_39 = vector.broadcast %broadcast_in_dim3A_38 : vector<1x128xf32> to vector<1024x128xf32>
    %select_n3A_40 = arith.select %lt3A, %broadcast_in_dim3A_39, %get3A_27 : vector<1024x128xi1>, vector<1024x128xf32>
    %slice3A_41 = vector.extract_strided_slice %dot_general3A_15 {offsets = [0, 128], sizes = [1024, 128], strides = [1, 1]} : vector<1024x4096xf32> to vector<1024x128xf32>
    %add3A_42 = vector.broadcast %get3A_18 : vector<1024x1xf32> to vector<1024x128xf32>
    %add3A_43 = arith.addf %add3A_42, %slice3A_41 : vector<1024x128xf32>
    %slice3A_44 = vector.extract_strided_slice %broadcast_in_dim3A {offsets = [0, 128], sizes = [1, 128], strides = [1, 1]} : vector<1x4096xf32> to vector<1x128xf32>
    %add3A_45 = vector.broadcast %slice3A_44 : vector<1x128xf32> to vector<1024x128xf32>
    %add3A_46 = arith.addf %add3A_43, %add3A_45 : vector<1024x128xf32>
    %lt3A_47 = arith.cmpf olt, %add3A_46, %select_n3A : vector<1024x128xf32>
    %select_n3A_48 = arith.select %lt3A_47, %add3A_46, %select_n3A : vector<1024x128xi1>, vector<1024x128xf32>
    %slice3A_49 = vector.extract_strided_slice %get3A_21 {offsets = [0, 128], sizes = [1, 128], strides = [1, 1]} : vector<1x4096xf32> to vector<1x128xf32>
    %add3A_50 = vector.broadcast %convert_element_type3A_30 : f32 to vector<1x128xf32>
    %add3A_51 = arith.addf %slice3A_49, %add3A_50 : vector<1x128xf32>
    %broadcast_in_dim3A_52 = vector.shape_cast %add3A_51 : vector<1x128xf32> to vector<1x128xf32>
    %broadcast_in_dim3A_53 = vector.broadcast %broadcast_in_dim3A_52 : vector<1x128xf32> to vector<1024x128xf32>
    %select_n3A_54 = arith.select %lt3A_47, %broadcast_in_dim3A_53, %select_n3A_40 : vector<1024x128xi1>, vector<1024x128xf32>
    %slice3A_55 = vector.extract_strided_slice %dot_general3A_15 {offsets = [0, 256], sizes = [1024, 128], strides = [1, 1]} : vector<1024x4096xf32> to vector<1024x128xf32>
    %add3A_56 = vector.broadcast %get3A_18 : vector<1024x1xf32> to vector<1024x128xf32>
    %add3A_57 = arith.addf %add3A_56, %slice3A_55 : vector<1024x128xf32>
    %slice3A_58 = vector.extract_strided_slice %broadcast_in_dim3A {offsets = [0, 256], sizes = [1, 128], strides = [1, 1]} : vector<1x4096xf32> to vector<1x128xf32>
    %add3A_59 = vector.broadcast %slice3A_58 : vector<1x128xf32> to vector<1024x128xf32>
    %add3A_60 = arith.addf %add3A_57, %add3A_59 : vector<1024x128xf32>
    %lt3A_61 = arith.cmpf olt, %add3A_60, %select_n3A_48 : vector<1024x128xf32>
    %select_n3A_62 = arith.select %lt3A_61, %add3A_60, %select_n3A_48 : vector<1024x128xi1>, vector<1024x128xf32>
    %slice3A_63 = vector.extract_strided_slice %get3A_21 {offsets = [0, 256], sizes = [1, 128], strides = [1, 1]} : vector<1x4096xf32> to vector<1x128xf32>
    %add3A_64 = vector.broadcast %convert_element_type3A_30 : f32 to vector<1x128xf32>
    %add3A_65 = arith.addf %slice3A_63, %add3A_64 : vector<1x128xf32>
    %broadcast_in_dim3A_66 = vector.shape_cast %add3A_65 : vector<1x128xf32> to vector<1x128xf32>
    %broadcast_in_dim3A_67 = vector.broadcast %broadcast_in_dim3A_66 : vector<1x128xf32> to vector<1024x128xf32>
    %select_n3A_68 = arith.select %lt3A_61, %broadcast_in_dim3A_67, %select_n3A_54 : vector<1024x128xi1>, vector<1024x128xf32>
    %slice3A_69 = vector.extract_strided_slice %dot_general3A_15 {offsets = [0, 384], sizes = [1024, 128], strides = [1, 1]} : vector<1024x4096xf32> to vector<1024x128xf32>
    %add3A_70 = vector.broadcast %get3A_18 : vector<1024x1xf32> to vector<1024x128xf32>
    %add3A_71 = arith.addf %add3A_70, %slice3A_69 : vector<1024x128xf32>
    %slice3A_72 = vector.extract_strided_slice %broadcast_in_dim3A {offsets = [0, 384], sizes = [1, 128], strides = [1, 1]} : vector<1x4096xf32> to vector<1x128xf32>
    %add3A_73 = vector.broadcast %slice3A_72 : vector<1x128xf32> to vector<1024x128xf32>
    %add3A_74 = arith.addf %add3A_71, %add3A_73 : vector<1024x128xf32>
    %lt3A_75 = arith.cmpf olt, %add3A_74, %select_n3A_62 : vector<1024x128xf32>
    %select_n3A_76 = arith.select %lt3A_75, %add3A_74, %select_n3A_62 : vector<1024x128xi1>, vector<1024x128xf32>
    %slice3A_77 = vector.extract_strided_slice %get3A_21 {offsets = [0, 384], sizes = [1, 128], strides = [1, 1]} : vector<1x4096xf32> to vector<1x128xf32>
    %add3A_78 = vector.broadcast %convert_element_type3A_30 : f32 to vector<1x128xf32>
    %add3A_79 = arith.addf %slice3A_77, %add3A_78 : vector<1x128xf32>
    %broadcast_in_dim3A_80 = vector.shape_cast %add3A_79 : vector<1x128xf32> to vector<1x128xf32>
    %broadcast_in_dim3A_81 = vector.broadcast %broadcast_in_dim3A_80 : vector<1x128xf32> to vector<1024x128xf32>
    %select_n3A_82 = arith.select %lt3A_75, %broadcast_in_dim3A_81, %select_n3A_68 : vector<1024x128xi1>, vector<1024x128xf32>
    %slice3A_83 = vector.extract_strided_slice %dot_general3A_15 {offsets = [0, 512], sizes = [1024, 128], strides = [1, 1]} : vector<1024x4096xf32> to vector<1024x128xf32>
    %add3A_84 = vector.broadcast %get3A_18 : vector<1024x1xf32> to vector<1024x128xf32>
    %add3A_85 = arith.addf %add3A_84, %slice3A_83 : vector<1024x128xf32>
    %slice3A_86 = vector.extract_strided_slice %broadcast_in_dim3A {offsets = [0, 512], sizes = [1, 128], strides = [1, 1]} : vector<1x4096xf32> to vector<1x128xf32>
    %add3A_87 = vector.broadcast %slice3A_86 : vector<1x128xf32> to vector<1024x128xf32>
    %add3A_88 = arith.addf %add3A_85, %add3A_87 : vector<1024x128xf32>
    %lt3A_89 = arith.cmpf olt, %add3A_88, %select_n3A_76 : vector<1024x128xf32>
    %select_n3A_90 = arith.select %lt3A_89, %add3A_88, %select_n3A_76 : vector<1024x128xi1>, vector<1024x128xf32>
    %slice3A_91 = vector.extract_strided_slice %get3A_21 {offsets = [0, 512], sizes = [1, 128], strides = [1, 1]} : vector<1x4096xf32> to vector<1x128xf32>
    %add3A_92 = vector.broadcast %convert_element_type3A_30 : f32 to vector<1x128xf32>
    %add3A_93 = arith.addf %slice3A_91, %add3A_92 : vector<1x128xf32>
    %broadcast_in_dim3A_94 = vector.shape_cast %add3A_93 : vector<1x128xf32> to vector<1x128xf32>
    %broadcast_in_dim3A_95 = vector.broadcast %broadcast_in_dim3A_94 : vector<1x128xf32> to vector<1024x128xf32>
    %select_n3A_96 = arith.select %lt3A_89, %broadcast_in_dim3A_95, %select_n3A_82 : vector<1024x128xi1>, vector<1024x128xf32>
    %slice3A_97 = vector.extract_strided_slice %dot_general3A_15 {offsets = [0, 640], sizes = [1024, 128], strides = [1, 1]} : vector<1024x4096xf32> to vector<1024x128xf32>
    %add3A_98 = vector.broadcast %get3A_18 : vector<1024x1xf32> to vector<1024x128xf32>
    %add3A_99 = arith.addf %add3A_98, %slice3A_97 : vector<1024x128xf32>
    %slice3A_100 = vector.extract_strided_slice %broadcast_in_dim3A {offsets = [0, 640], sizes = [1, 128], strides = [1, 1]} : vector<1x4096xf32> to vector<1x128xf32>
    %add3A_101 = vector.broadcast %slice3A_100 : vector<1x128xf32> to vector<1024x128xf32>
    %add3A_102 = arith.addf %add3A_99, %add3A_101 : vector<1024x128xf32>
    %lt3A_103 = arith.cmpf olt, %add3A_102, %select_n3A_90 : vector<1024x128xf32>
    %select_n3A_104 = arith.select %lt3A_103, %add3A_102, %select_n3A_90 : vector<1024x128xi1>, vector<1024x128xf32>
    %slice3A_105 = vector.extract_strided_slice %get3A_21 {offsets = [0, 640], sizes = [1, 128], strides = [1, 1]} : vector<1x4096xf32> to vector<1x128xf32>
    %add3A_106 = vector.broadcast %convert_element_type3A_30 : f32 to vector<1x128xf32>
    %add3A_107 = arith.addf %slice3A_105, %add3A_106 : vector<1x128xf32>
    %broadcast_in_dim3A_108 = vector.shape_cast %add3A_107 : vector<1x128xf32> to vector<1x128xf32>
    %broadcast_in_dim3A_109 = vector.broadcast %broadcast_in_dim3A_108 : vector<1x128xf32> to vector<1024x128xf32>
    %select_n3A_110 = arith.select %lt3A_103, %broadcast_in_dim3A_109, %select_n3A_96 : vector<1024x128xi1>, vector<1024x128xf32>
    %slice3A_111 = vector.extract_strided_slice %dot_general3A_15 {offsets = [0, 768], sizes = [1024, 128], strides = [1, 1]} : vector<1024x4096xf32> to vector<1024x128xf32>
    %add3A_112 = vector.broadcast %get3A_18 : vector<1024x1xf32> to vector<1024x128xf32>
    %add3A_113 = arith.addf %add3A_112, %slice3A_111 : vector<1024x128xf32>
    %slice3A_114 = vector.extract_strided_slice %broadcast_in_dim3A {offsets = [0, 768], sizes = [1, 128], strides = [1, 1]} : vector<1x4096xf32> to vector<1x128xf32>
    %add3A_115 = vector.broadcast %slice3A_114 : vector<1x128xf32> to vector<1024x128xf32>
    %add3A_116 = arith.addf %add3A_113, %add3A_115 : vector<1024x128xf32>
    %lt3A_117 = arith.cmpf olt, %add3A_116, %select_n3A_104 : vector<1024x128xf32>
    %select_n3A_118 = arith.select %lt3A_117, %add3A_116, %select_n3A_104 : vector<1024x128xi1>, vector<1024x128xf32>
    %slice3A_119 = vector.extract_strided_slice %get3A_21 {offsets = [0, 768], sizes = [1, 128], strides = [1, 1]} : vector<1x4096xf32> to vector<1x128xf32>
    %add3A_120 = vector.broadcast %convert_element_type3A_30 : f32 to vector<1x128xf32>
    %add3A_121 = arith.addf %slice3A_119, %add3A_120 : vector<1x128xf32>
    %broadcast_in_dim3A_122 = vector.shape_cast %add3A_121 : vector<1x128xf32> to vector<1x128xf32>
    %broadcast_in_dim3A_123 = vector.broadcast %broadcast_in_dim3A_122 : vector<1x128xf32> to vector<1024x128xf32>
    %select_n3A_124 = arith.select %lt3A_117, %broadcast_in_dim3A_123, %select_n3A_110 : vector<1024x128xi1>, vector<1024x128xf32>
    %slice3A_125 = vector.extract_strided_slice %dot_general3A_15 {offsets = [0, 896], sizes = [1024, 128], strides = [1, 1]} : vector<1024x4096xf32> to vector<1024x128xf32>
    %add3A_126 = vector.broadcast %get3A_18 : vector<1024x1xf32> to vector<1024x128xf32>
    %add3A_127 = arith.addf %add3A_126, %slice3A_125 : vector<1024x128xf32>
    %slice3A_128 = vector.extract_strided_slice %broadcast_in_dim3A {offsets = [0, 896], sizes = [1, 128], strides = [1, 1]} : vector<1x4096xf32> to vector<1x128xf32>
    %add3A_129 = vector.broadcast %slice3A_128 : vector<1x128xf32> to vector<1024x128xf32>
    %add3A_130 = arith.addf %add3A_127, %add3A_129 : vector<1024x128xf32>
    %lt3A_131 = arith.cmpf olt, %add3A_130, %select_n3A_118 : vector<1024x128xf32>
    %select_n3A_132 = arith.select %lt3A_131, %add3A_130, %select_n3A_118 : vector<1024x128xi1>, vector<1024x128xf32>
    %slice3A_133 = vector.extract_strided_slice %get3A_21 {offsets = [0, 896], sizes = [1, 128], strides = [1, 1]} : vector<1x4096xf32> to vector<1x128xf32>
    %add3A_134 = vector.broadcast %convert_element_type3A_30 : f32 to vector<1x128xf32>
    %add3A_135 = arith.addf %slice3A_133, %add3A_134 : vector<1x128xf32>
    %broadcast_in_dim3A_136 = vector.shape_cast %add3A_135 : vector<1x128xf32> to vector<1x128xf32>
    %broadcast_in_dim3A_137 = vector.broadcast %broadcast_in_dim3A_136 : vector<1x128xf32> to vector<1024x128xf32>
    %select_n3A_138 = arith.select %lt3A_131, %broadcast_in_dim3A_137, %select_n3A_124 : vector<1024x128xi1>, vector<1024x128xf32>
    %slice3A_139 = vector.extract_strided_slice %dot_general3A_15 {offsets = [0, 1024], sizes = [1024, 128], strides = [1, 1]} : vector<1024x4096xf32> to vector<1024x128xf32>
    %add3A_140 = vector.broadcast %get3A_18 : vector<1024x1xf32> to vector<1024x128xf32>
    %add3A_141 = arith.addf %add3A_140, %slice3A_139 : vector<1024x128xf32>
    %slice3A_142 = vector.extract_strided_slice %broadcast_in_dim3A {offsets = [0, 1024], sizes = [1, 128], strides = [1, 1]} : vector<1x4096xf32> to vector<1x128xf32>
    %add3A_143 = vector.broadcast %slice3A_142 : vector<1x128xf32> to vector<1024x128xf32>
    %add3A_144 = arith.addf %add3A_141, %add3A_143 : vector<1024x128xf32>
    %lt3A_145 = arith.cmpf olt, %add3A_144, %select_n3A_132 : vector<1024x128xf32>
    %select_n3A_146 = arith.select %lt3A_145, %add3A_144, %select_n3A_132 : vector<1024x128xi1>, vector<1024x128xf32>
    %slice3A_147 = vector.extract_strided_slice %get3A_21 {offsets = [0, 1024], sizes = [1, 128], strides = [1, 1]} : vector<1x4096xf32> to vector<1x128xf32>
    %add3A_148 = vector.broadcast %convert_element_type3A_30 : f32 to vector<1x128xf32>
    %add3A_149 = arith.addf %slice3A_147, %add3A_148 : vector<1x128xf32>
    %broadcast_in_dim3A_150 = vector.shape_cast %add3A_149 : vector<1x128xf32> to vector<1x128xf32>
    %broadcast_in_dim3A_151 = vector.broadcast %broadcast_in_dim3A_150 : vector<1x128xf32> to vector<1024x128xf32>
    %select_n3A_152 = arith.select %lt3A_145, %broadcast_in_dim3A_151, %select_n3A_138 : vector<1024x128xi1>, vector<1024x128xf32>
    %slice3A_153 = vector.extract_strided_slice %dot_general3A_15 {offsets = [0, 1152], sizes = [1024, 128], strides = [1, 1]} : vector<1024x4096xf32> to vector<1024x128xf32>
    %add3A_154 = vector.broadcast %get3A_18 : vector<1024x1xf32> to vector<1024x128xf32>
    %add3A_155 = arith.addf %add3A_154, %slice3A_153 : vector<1024x128xf32>
    %slice3A_156 = vector.extract_strided_slice %broadcast_in_dim3A {offsets = [0, 1152], sizes = [1, 128], strides = [1, 1]} : vector<1x4096xf32> to vector<1x128xf32>
    %add3A_157 = vector.broadcast %slice3A_156 : vector<1x128xf32> to vector<1024x128xf32>
    %add3A_158 = arith.addf %add3A_155, %add3A_157 : vector<1024x128xf32>
    %lt3A_159 = arith.cmpf olt, %add3A_158, %select_n3A_146 : vector<1024x128xf32>
    %select_n3A_160 = arith.select %lt3A_159, %add3A_158, %select_n3A_146 : vector<1024x128xi1>, vector<1024x128xf32>
    %slice3A_161 = vector.extract_strided_slice %get3A_21 {offsets = [0, 1152], sizes = [1, 128], strides = [1, 1]} : vector<1x4096xf32> to vector<1x128xf32>
    %add3A_162 = vector.broadcast %convert_element_type3A_30 : f32 to vector<1x128xf32>
    %add3A_163 = arith.addf %slice3A_161, %add3A_162 : vector<1x128xf32>
    %broadcast_in_dim3A_164 = vector.shape_cast %add3A_163 : vector<1x128xf32> to vector<1x128xf32>
    %broadcast_in_dim3A_165 = vector.broadcast %broadcast_in_dim3A_164 : vector<1x128xf32> to vector<1024x128xf32>
    %select_n3A_166 = arith.select %lt3A_159, %broadcast_in_dim3A_165, %select_n3A_152 : vector<1024x128xi1>, vector<1024x128xf32>
    %slice3A_167 = vector.extract_strided_slice %dot_general3A_15 {offsets = [0, 1280], sizes = [1024, 128], strides = [1, 1]} : vector<1024x4096xf32> to vector<1024x128xf32>
    %add3A_168 = vector.broadcast %get3A_18 : vector<1024x1xf32> to vector<1024x128xf32>
    %add3A_169 = arith.addf %add3A_168, %slice3A_167 : vector<1024x128xf32>
    %slice3A_170 = vector.extract_strided_slice %broadcast_in_dim3A {offsets = [0, 1280], sizes = [1, 128], strides = [1, 1]} : vector<1x4096xf32> to vector<1x128xf32>
    %add3A_171 = vector.broadcast %slice3A_170 : vector<1x128xf32> to vector<1024x128xf32>
    %add3A_172 = arith.addf %add3A_169, %add3A_171 : vector<1024x128xf32>
    %lt3A_173 = arith.cmpf olt, %add3A_172, %select_n3A_160 : vector<1024x128xf32>
    %select_n3A_174 = arith.select %lt3A_173, %add3A_172, %select_n3A_160 : vector<1024x128xi1>, vector<1024x128xf32>
    %slice3A_175 = vector.extract_strided_slice %get3A_21 {offsets = [0, 1280], sizes = [1, 128], strides = [1, 1]} : vector<1x4096xf32> to vector<1x128xf32>
    %add3A_176 = vector.broadcast %convert_element_type3A_30 : f32 to vector<1x128xf32>
    %add3A_177 = arith.addf %slice3A_175, %add3A_176 : vector<1x128xf32>
    %broadcast_in_dim3A_178 = vector.shape_cast %add3A_177 : vector<1x128xf32> to vector<1x128xf32>
    %broadcast_in_dim3A_179 = vector.broadcast %broadcast_in_dim3A_178 : vector<1x128xf32> to vector<1024x128xf32>
    %select_n3A_180 = arith.select %lt3A_173, %broadcast_in_dim3A_179, %select_n3A_166 : vector<1024x128xi1>, vector<1024x128xf32>
    %slice3A_181 = vector.extract_strided_slice %dot_general3A_15 {offsets = [0, 1408], sizes = [1024, 128], strides = [1, 1]} : vector<1024x4096xf32> to vector<1024x128xf32>
    %add3A_182 = vector.broadcast %get3A_18 : vector<1024x1xf32> to vector<1024x128xf32>
    %add3A_183 = arith.addf %add3A_182, %slice3A_181 : vector<1024x128xf32>
    %slice3A_184 = vector.extract_strided_slice %broadcast_in_dim3A {offsets = [0, 1408], sizes = [1, 128], strides = [1, 1]} : vector<1x4096xf32> to vector<1x128xf32>
    %add3A_185 = vector.broadcast %slice3A_184 : vector<1x128xf32> to vector<1024x128xf32>
    %add3A_186 = arith.addf %add3A_183, %add3A_185 : vector<1024x128xf32>
    %lt3A_187 = arith.cmpf olt, %add3A_186, %select_n3A_174 : vector<1024x128xf32>
    %select_n3A_188 = arith.select %lt3A_187, %add3A_186, %select_n3A_174 : vector<1024x128xi1>, vector<1024x128xf32>
    %slice3A_189 = vector.extract_strided_slice %get3A_21 {offsets = [0, 1408], sizes = [1, 128], strides = [1, 1]} : vector<1x4096xf32> to vector<1x128xf32>
    %add3A_190 = vector.broadcast %convert_element_type3A_30 : f32 to vector<1x128xf32>
    %add3A_191 = arith.addf %slice3A_189, %add3A_190 : vector<1x128xf32>
    %broadcast_in_dim3A_192 = vector.shape_cast %add3A_191 : vector<1x128xf32> to vector<1x128xf32>
    %broadcast_in_dim3A_193 = vector.broadcast %broadcast_in_dim3A_192 : vector<1x128xf32> to vector<1024x128xf32>
    %select_n3A_194 = arith.select %lt3A_187, %broadcast_in_dim3A_193, %select_n3A_180 : vector<1024x128xi1>, vector<1024x128xf32>
    %slice3A_195 = vector.extract_strided_slice %dot_general3A_15 {offsets = [0, 1536], sizes = [1024, 128], strides = [1, 1]} : vector<1024x4096xf32> to vector<1024x128xf32>
    %add3A_196 = vector.broadcast %get3A_18 : vector<1024x1xf32> to vector<1024x128xf32>
    %add3A_197 = arith.addf %add3A_196, %slice3A_195 : vector<1024x128xf32>
    %slice3A_198 = vector.extract_strided_slice %broadcast_in_dim3A {offsets = [0, 1536], sizes = [1, 128], strides = [1, 1]} : vector<1x4096xf32> to vector<1x128xf32>
    %add3A_199 = vector.broadcast %slice3A_198 : vector<1x128xf32> to vector<1024x128xf32>
    %add3A_200 = arith.addf %add3A_197, %add3A_199 : vector<1024x128xf32>
    %lt3A_201 = arith.cmpf olt, %add3A_200, %select_n3A_188 : vector<1024x128xf32>
    %select_n3A_202 = arith.select %lt3A_201, %add3A_200, %select_n3A_188 : vector<1024x128xi1>, vector<1024x128xf32>
    %slice3A_203 = vector.extract_strided_slice %get3A_21 {offsets = [0, 1536], sizes = [1, 128], strides = [1, 1]} : vector<1x4096xf32> to vector<1x128xf32>
    %add3A_204 = vector.broadcast %convert_element_type3A_30 : f32 to vector<1x128xf32>
    %add3A_205 = arith.addf %slice3A_203, %add3A_204 : vector<1x128xf32>
    %broadcast_in_dim3A_206 = vector.shape_cast %add3A_205 : vector<1x128xf32> to vector<1x128xf32>
    %broadcast_in_dim3A_207 = vector.broadcast %broadcast_in_dim3A_206 : vector<1x128xf32> to vector<1024x128xf32>
    %select_n3A_208 = arith.select %lt3A_201, %broadcast_in_dim3A_207, %select_n3A_194 : vector<1024x128xi1>, vector<1024x128xf32>
    %slice3A_209 = vector.extract_strided_slice %dot_general3A_15 {offsets = [0, 1664], sizes = [1024, 128], strides = [1, 1]} : vector<1024x4096xf32> to vector<1024x128xf32>
    %add3A_210 = vector.broadcast %get3A_18 : vector<1024x1xf32> to vector<1024x128xf32>
    %add3A_211 = arith.addf %add3A_210, %slice3A_209 : vector<1024x128xf32>
    %slice3A_212 = vector.extract_strided_slice %broadcast_in_dim3A {offsets = [0, 1664], sizes = [1, 128], strides = [1, 1]} : vector<1x4096xf32> to vector<1x128xf32>
    %add3A_213 = vector.broadcast %slice3A_212 : vector<1x128xf32> to vector<1024x128xf32>
    %add3A_214 = arith.addf %add3A_211, %add3A_213 : vector<1024x128xf32>
    %lt3A_215 = arith.cmpf olt, %add3A_214, %select_n3A_202 : vector<1024x128xf32>
    %select_n3A_216 = arith.select %lt3A_215, %add3A_214, %select_n3A_202 : vector<1024x128xi1>, vector<1024x128xf32>
    %slice3A_217 = vector.extract_strided_slice %get3A_21 {offsets = [0, 1664], sizes = [1, 128], strides = [1, 1]} : vector<1x4096xf32> to vector<1x128xf32>
    %add3A_218 = vector.broadcast %convert_element_type3A_30 : f32 to vector<1x128xf32>
    %add3A_219 = arith.addf %slice3A_217, %add3A_218 : vector<1x128xf32>
    %broadcast_in_dim3A_220 = vector.shape_cast %add3A_219 : vector<1x128xf32> to vector<1x128xf32>
    %broadcast_in_dim3A_221 = vector.broadcast %broadcast_in_dim3A_220 : vector<1x128xf32> to vector<1024x128xf32>
    %select_n3A_222 = arith.select %lt3A_215, %broadcast_in_dim3A_221, %select_n3A_208 : vector<1024x128xi1>, vector<1024x128xf32>
    %slice3A_223 = vector.extract_strided_slice %dot_general3A_15 {offsets = [0, 1792], sizes = [1024, 128], strides = [1, 1]} : vector<1024x4096xf32> to vector<1024x128xf32>
    %add3A_224 = vector.broadcast %get3A_18 : vector<1024x1xf32> to vector<1024x128xf32>
    %add3A_225 = arith.addf %add3A_224, %slice3A_223 : vector<1024x128xf32>
    %slice3A_226 = vector.extract_strided_slice %broadcast_in_dim3A {offsets = [0, 1792], sizes = [1, 128], strides = [1, 1]} : vector<1x4096xf32> to vector<1x128xf32>
    %add3A_227 = vector.broadcast %slice3A_226 : vector<1x128xf32> to vector<1024x128xf32>
    %add3A_228 = arith.addf %add3A_225, %add3A_227 : vector<1024x128xf32>
    %lt3A_229 = arith.cmpf olt, %add3A_228, %select_n3A_216 : vector<1024x128xf32>
    %select_n3A_230 = arith.select %lt3A_229, %add3A_228, %select_n3A_216 : vector<1024x128xi1>, vector<1024x128xf32>
    %slice3A_231 = vector.extract_strided_slice %get3A_21 {offsets = [0, 1792], sizes = [1, 128], strides = [1, 1]} : vector<1x4096xf32> to vector<1x128xf32>
    %add3A_232 = vector.broadcast %convert_element_type3A_30 : f32 to vector<1x128xf32>
    %add3A_233 = arith.addf %slice3A_231, %add3A_232 : vector<1x128xf32>
    %broadcast_in_dim3A_234 = vector.shape_cast %add3A_233 : vector<1x128xf32> to vector<1x128xf32>
    %broadcast_in_dim3A_235 = vector.broadcast %broadcast_in_dim3A_234 : vector<1x128xf32> to vector<1024x128xf32>
    %select_n3A_236 = arith.select %lt3A_229, %broadcast_in_dim3A_235, %select_n3A_222 : vector<1024x128xi1>, vector<1024x128xf32>
    %slice3A_237 = vector.extract_strided_slice %dot_general3A_15 {offsets = [0, 1920], sizes = [1024, 128], strides = [1, 1]} : vector<1024x4096xf32> to vector<1024x128xf32>
    %add3A_238 = vector.broadcast %get3A_18 : vector<1024x1xf32> to vector<1024x128xf32>
    %add3A_239 = arith.addf %add3A_238, %slice3A_237 : vector<1024x128xf32>
    %slice3A_240 = vector.extract_strided_slice %broadcast_in_dim3A {offsets = [0, 1920], sizes = [1, 128], strides = [1, 1]} : vector<1x4096xf32> to vector<1x128xf32>
    %add3A_241 = vector.broadcast %slice3A_240 : vector<1x128xf32> to vector<1024x128xf32>
    %add3A_242 = arith.addf %add3A_239, %add3A_241 : vector<1024x128xf32>
    %lt3A_243 = arith.cmpf olt, %add3A_242, %select_n3A_230 : vector<1024x128xf32>
    %select_n3A_244 = arith.select %lt3A_243, %add3A_242, %select_n3A_230 : vector<1024x128xi1>, vector<1024x128xf32>
    %slice3A_245 = vector.extract_strided_slice %get3A_21 {offsets = [0, 1920], sizes = [1, 128], strides = [1, 1]} : vector<1x4096xf32> to vector<1x128xf32>
    %add3A_246 = vector.broadcast %convert_element_type3A_30 : f32 to vector<1x128xf32>
    %add3A_247 = arith.addf %slice3A_245, %add3A_246 : vector<1x128xf32>
    %broadcast_in_dim3A_248 = vector.shape_cast %add3A_247 : vector<1x128xf32> to vector<1x128xf32>
    %broadcast_in_dim3A_249 = vector.broadcast %broadcast_in_dim3A_248 : vector<1x128xf32> to vector<1024x128xf32>
    %select_n3A_250 = arith.select %lt3A_243, %broadcast_in_dim3A_249, %select_n3A_236 : vector<1024x128xi1>, vector<1024x128xf32>
    %slice3A_251 = vector.extract_strided_slice %dot_general3A_15 {offsets = [0, 2048], sizes = [1024, 128], strides = [1, 1]} : vector<1024x4096xf32> to vector<1024x128xf32>
    %add3A_252 = vector.broadcast %get3A_18 : vector<1024x1xf32> to vector<1024x128xf32>
    %add3A_253 = arith.addf %add3A_252, %slice3A_251 : vector<1024x128xf32>
    %slice3A_254 = vector.extract_strided_slice %broadcast_in_dim3A {offsets = [0, 2048], sizes = [1, 128], strides = [1, 1]} : vector<1x4096xf32> to vector<1x128xf32>
    %add3A_255 = vector.broadcast %slice3A_254 : vector<1x128xf32> to vector<1024x128xf32>
    %add3A_256 = arith.addf %add3A_253, %add3A_255 : vector<1024x128xf32>
    %lt3A_257 = arith.cmpf olt, %add3A_256, %select_n3A_244 : vector<1024x128xf32>
    %select_n3A_258 = arith.select %lt3A_257, %add3A_256, %select_n3A_244 : vector<1024x128xi1>, vector<1024x128xf32>
    %slice3A_259 = vector.extract_strided_slice %get3A_21 {offsets = [0, 2048], sizes = [1, 128], strides = [1, 1]} : vector<1x4096xf32> to vector<1x128xf32>
    %add3A_260 = vector.broadcast %convert_element_type3A_30 : f32 to vector<1x128xf32>
    %add3A_261 = arith.addf %slice3A_259, %add3A_260 : vector<1x128xf32>
    %broadcast_in_dim3A_262 = vector.shape_cast %add3A_261 : vector<1x128xf32> to vector<1x128xf32>
    %broadcast_in_dim3A_263 = vector.broadcast %broadcast_in_dim3A_262 : vector<1x128xf32> to vector<1024x128xf32>
    %select_n3A_264 = arith.select %lt3A_257, %broadcast_in_dim3A_263, %select_n3A_250 : vector<1024x128xi1>, vector<1024x128xf32>
    %slice3A_265 = vector.extract_strided_slice %dot_general3A_15 {offsets = [0, 2176], sizes = [1024, 128], strides = [1, 1]} : vector<1024x4096xf32> to vector<1024x128xf32>
    %add3A_266 = vector.broadcast %get3A_18 : vector<1024x1xf32> to vector<1024x128xf32>
    %add3A_267 = arith.addf %add3A_266, %slice3A_265 : vector<1024x128xf32>
    %slice3A_268 = vector.extract_strided_slice %broadcast_in_dim3A {offsets = [0, 2176], sizes = [1, 128], strides = [1, 1]} : vector<1x4096xf32> to vector<1x128xf32>
    %add3A_269 = vector.broadcast %slice3A_268 : vector<1x128xf32> to vector<1024x128xf32>
    %add3A_270 = arith.addf %add3A_267, %add3A_269 : vector<1024x128xf32>
    %lt3A_271 = arith.cmpf olt, %add3A_270, %select_n3A_258 : vector<1024x128xf32>
    %select_n3A_272 = arith.select %lt3A_271, %add3A_270, %select_n3A_258 : vector<1024x128xi1>, vector<1024x128xf32>
    %slice3A_273 = vector.extract_strided_slice %get3A_21 {offsets = [0, 2176], sizes = [1, 128], strides = [1, 1]} : vector<1x4096xf32> to vector<1x128xf32>
    %add3A_274 = vector.broadcast %convert_element_type3A_30 : f32 to vector<1x128xf32>
    %add3A_275 = arith.addf %slice3A_273, %add3A_274 : vector<1x128xf32>
    %broadcast_in_dim3A_276 = vector.shape_cast %add3A_275 : vector<1x128xf32> to vector<1x128xf32>
    %broadcast_in_dim3A_277 = vector.broadcast %broadcast_in_dim3A_276 : vector<1x128xf32> to vector<1024x128xf32>
    %select_n3A_278 = arith.select %lt3A_271, %broadcast_in_dim3A_277, %select_n3A_264 : vector<1024x128xi1>, vector<1024x128xf32>
    %slice3A_279 = vector.extract_strided_slice %dot_general3A_15 {offsets = [0, 2304], sizes = [1024, 128], strides = [1, 1]} : vector<1024x4096xf32> to vector<1024x128xf32>
    %add3A_280 = vector.broadcast %get3A_18 : vector<1024x1xf32> to vector<1024x128xf32>
    %add3A_281 = arith.addf %add3A_280, %slice3A_279 : vector<1024x128xf32>
    %slice3A_282 = vector.extract_strided_slice %broadcast_in_dim3A {offsets = [0, 2304], sizes = [1, 128], strides = [1, 1]} : vector<1x4096xf32> to vector<1x128xf32>
    %add3A_283 = vector.broadcast %slice3A_282 : vector<1x128xf32> to vector<1024x128xf32>
    %add3A_284 = arith.addf %add3A_281, %add3A_283 : vector<1024x128xf32>
    %lt3A_285 = arith.cmpf olt, %add3A_284, %select_n3A_272 : vector<1024x128xf32>
    %select_n3A_286 = arith.select %lt3A_285, %add3A_284, %select_n3A_272 : vector<1024x128xi1>, vector<1024x128xf32>
    %slice3A_287 = vector.extract_strided_slice %get3A_21 {offsets = [0, 2304], sizes = [1, 128], strides = [1, 1]} : vector<1x4096xf32> to vector<1x128xf32>
    %add3A_288 = vector.broadcast %convert_element_type3A_30 : f32 to vector<1x128xf32>
    %add3A_289 = arith.addf %slice3A_287, %add3A_288 : vector<1x128xf32>
    %broadcast_in_dim3A_290 = vector.shape_cast %add3A_289 : vector<1x128xf32> to vector<1x128xf32>
    %broadcast_in_dim3A_291 = vector.broadcast %broadcast_in_dim3A_290 : vector<1x128xf32> to vector<1024x128xf32>
    %select_n3A_292 = arith.select %lt3A_285, %broadcast_in_dim3A_291, %select_n3A_278 : vector<1024x128xi1>, vector<1024x128xf32>
    %slice3A_293 = vector.extract_strided_slice %dot_general3A_15 {offsets = [0, 2432], sizes = [1024, 128], strides = [1, 1]} : vector<1024x4096xf32> to vector<1024x128xf32>
    %add3A_294 = vector.broadcast %get3A_18 : vector<1024x1xf32> to vector<1024x128xf32>
    %add3A_295 = arith.addf %add3A_294, %slice3A_293 : vector<1024x128xf32>
    %slice3A_296 = vector.extract_strided_slice %broadcast_in_dim3A {offsets = [0, 2432], sizes = [1, 128], strides = [1, 1]} : vector<1x4096xf32> to vector<1x128xf32>
    %add3A_297 = vector.broadcast %slice3A_296 : vector<1x128xf32> to vector<1024x128xf32>
    %add3A_298 = arith.addf %add3A_295, %add3A_297 : vector<1024x128xf32>
    %lt3A_299 = arith.cmpf olt, %add3A_298, %select_n3A_286 : vector<1024x128xf32>
    %select_n3A_300 = arith.select %lt3A_299, %add3A_298, %select_n3A_286 : vector<1024x128xi1>, vector<1024x128xf32>
    %slice3A_301 = vector.extract_strided_slice %get3A_21 {offsets = [0, 2432], sizes = [1, 128], strides = [1, 1]} : vector<1x4096xf32> to vector<1x128xf32>
    %add3A_302 = vector.broadcast %convert_element_type3A_30 : f32 to vector<1x128xf32>
    %add3A_303 = arith.addf %slice3A_301, %add3A_302 : vector<1x128xf32>
    %broadcast_in_dim3A_304 = vector.shape_cast %add3A_303 : vector<1x128xf32> to vector<1x128xf32>
    %broadcast_in_dim3A_305 = vector.broadcast %broadcast_in_dim3A_304 : vector<1x128xf32> to vector<1024x128xf32>
    %select_n3A_306 = arith.select %lt3A_299, %broadcast_in_dim3A_305, %select_n3A_292 : vector<1024x128xi1>, vector<1024x128xf32>
    %slice3A_307 = vector.extract_strided_slice %dot_general3A_15 {offsets = [0, 2560], sizes = [1024, 128], strides = [1, 1]} : vector<1024x4096xf32> to vector<1024x128xf32>
    %add3A_308 = vector.broadcast %get3A_18 : vector<1024x1xf32> to vector<1024x128xf32>
    %add3A_309 = arith.addf %add3A_308, %slice3A_307 : vector<1024x128xf32>
    %slice3A_310 = vector.extract_strided_slice %broadcast_in_dim3A {offsets = [0, 2560], sizes = [1, 128], strides = [1, 1]} : vector<1x4096xf32> to vector<1x128xf32>
    %add3A_311 = vector.broadcast %slice3A_310 : vector<1x128xf32> to vector<1024x128xf32>
    %add3A_312 = arith.addf %add3A_309, %add3A_311 : vector<1024x128xf32>
    %lt3A_313 = arith.cmpf olt, %add3A_312, %select_n3A_300 : vector<1024x128xf32>
    %select_n3A_314 = arith.select %lt3A_313, %add3A_312, %select_n3A_300 : vector<1024x128xi1>, vector<1024x128xf32>
    %slice3A_315 = vector.extract_strided_slice %get3A_21 {offsets = [0, 2560], sizes = [1, 128], strides = [1, 1]} : vector<1x4096xf32> to vector<1x128xf32>
    %add3A_316 = vector.broadcast %convert_element_type3A_30 : f32 to vector<1x128xf32>
    %add3A_317 = arith.addf %slice3A_315, %add3A_316 : vector<1x128xf32>
    %broadcast_in_dim3A_318 = vector.shape_cast %add3A_317 : vector<1x128xf32> to vector<1x128xf32>
    %broadcast_in_dim3A_319 = vector.broadcast %broadcast_in_dim3A_318 : vector<1x128xf32> to vector<1024x128xf32>
    %select_n3A_320 = arith.select %lt3A_313, %broadcast_in_dim3A_319, %select_n3A_306 : vector<1024x128xi1>, vector<1024x128xf32>
    %slice3A_321 = vector.extract_strided_slice %dot_general3A_15 {offsets = [0, 2688], sizes = [1024, 128], strides = [1, 1]} : vector<1024x4096xf32> to vector<1024x128xf32>
    %add3A_322 = vector.broadcast %get3A_18 : vector<1024x1xf32> to vector<1024x128xf32>
    %add3A_323 = arith.addf %add3A_322, %slice3A_321 : vector<1024x128xf32>
    %slice3A_324 = vector.extract_strided_slice %broadcast_in_dim3A {offsets = [0, 2688], sizes = [1, 128], strides = [1, 1]} : vector<1x4096xf32> to vector<1x128xf32>
    %add3A_325 = vector.broadcast %slice3A_324 : vector<1x128xf32> to vector<1024x128xf32>
    %add3A_326 = arith.addf %add3A_323, %add3A_325 : vector<1024x128xf32>
    %lt3A_327 = arith.cmpf olt, %add3A_326, %select_n3A_314 : vector<1024x128xf32>
    %select_n3A_328 = arith.select %lt3A_327, %add3A_326, %select_n3A_314 : vector<1024x128xi1>, vector<1024x128xf32>
    %slice3A_329 = vector.extract_strided_slice %get3A_21 {offsets = [0, 2688], sizes = [1, 128], strides = [1, 1]} : vector<1x4096xf32> to vector<1x128xf32>
    %add3A_330 = vector.broadcast %convert_element_type3A_30 : f32 to vector<1x128xf32>
    %add3A_331 = arith.addf %slice3A_329, %add3A_330 : vector<1x128xf32>
    %broadcast_in_dim3A_332 = vector.shape_cast %add3A_331 : vector<1x128xf32> to vector<1x128xf32>
    %broadcast_in_dim3A_333 = vector.broadcast %broadcast_in_dim3A_332 : vector<1x128xf32> to vector<1024x128xf32>
    %select_n3A_334 = arith.select %lt3A_327, %broadcast_in_dim3A_333, %select_n3A_320 : vector<1024x128xi1>, vector<1024x128xf32>
    %slice3A_335 = vector.extract_strided_slice %dot_general3A_15 {offsets = [0, 2816], sizes = [1024, 128], strides = [1, 1]} : vector<1024x4096xf32> to vector<1024x128xf32>
    %add3A_336 = vector.broadcast %get3A_18 : vector<1024x1xf32> to vector<1024x128xf32>
    %add3A_337 = arith.addf %add3A_336, %slice3A_335 : vector<1024x128xf32>
    %slice3A_338 = vector.extract_strided_slice %broadcast_in_dim3A {offsets = [0, 2816], sizes = [1, 128], strides = [1, 1]} : vector<1x4096xf32> to vector<1x128xf32>
    %add3A_339 = vector.broadcast %slice3A_338 : vector<1x128xf32> to vector<1024x128xf32>
    %add3A_340 = arith.addf %add3A_337, %add3A_339 : vector<1024x128xf32>
    %lt3A_341 = arith.cmpf olt, %add3A_340, %select_n3A_328 : vector<1024x128xf32>
    %select_n3A_342 = arith.select %lt3A_341, %add3A_340, %select_n3A_328 : vector<1024x128xi1>, vector<1024x128xf32>
    %slice3A_343 = vector.extract_strided_slice %get3A_21 {offsets = [0, 2816], sizes = [1, 128], strides = [1, 1]} : vector<1x4096xf32> to vector<1x128xf32>
    %add3A_344 = vector.broadcast %convert_element_type3A_30 : f32 to vector<1x128xf32>
    %add3A_345 = arith.addf %slice3A_343, %add3A_344 : vector<1x128xf32>
    %broadcast_in_dim3A_346 = vector.shape_cast %add3A_345 : vector<1x128xf32> to vector<1x128xf32>
    %broadcast_in_dim3A_347 = vector.broadcast %broadcast_in_dim3A_346 : vector<1x128xf32> to vector<1024x128xf32>
    %select_n3A_348 = arith.select %lt3A_341, %broadcast_in_dim3A_347, %select_n3A_334 : vector<1024x128xi1>, vector<1024x128xf32>
    %slice3A_349 = vector.extract_strided_slice %dot_general3A_15 {offsets = [0, 2944], sizes = [1024, 128], strides = [1, 1]} : vector<1024x4096xf32> to vector<1024x128xf32>
    %add3A_350 = vector.broadcast %get3A_18 : vector<1024x1xf32> to vector<1024x128xf32>
    %add3A_351 = arith.addf %add3A_350, %slice3A_349 : vector<1024x128xf32>
    %slice3A_352 = vector.extract_strided_slice %broadcast_in_dim3A {offsets = [0, 2944], sizes = [1, 128], strides = [1, 1]} : vector<1x4096xf32> to vector<1x128xf32>
    %add3A_353 = vector.broadcast %slice3A_352 : vector<1x128xf32> to vector<1024x128xf32>
    %add3A_354 = arith.addf %add3A_351, %add3A_353 : vector<1024x128xf32>
    %lt3A_355 = arith.cmpf olt, %add3A_354, %select_n3A_342 : vector<1024x128xf32>
    %select_n3A_356 = arith.select %lt3A_355, %add3A_354, %select_n3A_342 : vector<1024x128xi1>, vector<1024x128xf32>
    %slice3A_357 = vector.extract_strided_slice %get3A_21 {offsets = [0, 2944], sizes = [1, 128], strides = [1, 1]} : vector<1x4096xf32> to vector<1x128xf32>
    %add3A_358 = vector.broadcast %convert_element_type3A_30 : f32 to vector<1x128xf32>
    %add3A_359 = arith.addf %slice3A_357, %add3A_358 : vector<1x128xf32>
    %broadcast_in_dim3A_360 = vector.shape_cast %add3A_359 : vector<1x128xf32> to vector<1x128xf32>
    %broadcast_in_dim3A_361 = vector.broadcast %broadcast_in_dim3A_360 : vector<1x128xf32> to vector<1024x128xf32>
    %select_n3A_362 = arith.select %lt3A_355, %broadcast_in_dim3A_361, %select_n3A_348 : vector<1024x128xi1>, vector<1024x128xf32>
    %slice3A_363 = vector.extract_strided_slice %dot_general3A_15 {offsets = [0, 3072], sizes = [1024, 128], strides = [1, 1]} : vector<1024x4096xf32> to vector<1024x128xf32>
    %add3A_364 = vector.broadcast %get3A_18 : vector<1024x1xf32> to vector<1024x128xf32>
    %add3A_365 = arith.addf %add3A_364, %slice3A_363 : vector<1024x128xf32>
    %slice3A_366 = vector.extract_strided_slice %broadcast_in_dim3A {offsets = [0, 3072], sizes = [1, 128], strides = [1, 1]} : vector<1x4096xf32> to vector<1x128xf32>
    %add3A_367 = vector.broadcast %slice3A_366 : vector<1x128xf32> to vector<1024x128xf32>
    %add3A_368 = arith.addf %add3A_365, %add3A_367 : vector<1024x128xf32>
    %lt3A_369 = arith.cmpf olt, %add3A_368, %select_n3A_356 : vector<1024x128xf32>
    %select_n3A_370 = arith.select %lt3A_369, %add3A_368, %select_n3A_356 : vector<1024x128xi1>, vector<1024x128xf32>
    %slice3A_371 = vector.extract_strided_slice %get3A_21 {offsets = [0, 3072], sizes = [1, 128], strides = [1, 1]} : vector<1x4096xf32> to vector<1x128xf32>
    %add3A_372 = vector.broadcast %convert_element_type3A_30 : f32 to vector<1x128xf32>
    %add3A_373 = arith.addf %slice3A_371, %add3A_372 : vector<1x128xf32>
    %broadcast_in_dim3A_374 = vector.shape_cast %add3A_373 : vector<1x128xf32> to vector<1x128xf32>
    %broadcast_in_dim3A_375 = vector.broadcast %broadcast_in_dim3A_374 : vector<1x128xf32> to vector<1024x128xf32>
    %select_n3A_376 = arith.select %lt3A_369, %broadcast_in_dim3A_375, %select_n3A_362 : vector<1024x128xi1>, vector<1024x128xf32>
    %slice3A_377 = vector.extract_strided_slice %dot_general3A_15 {offsets = [0, 3200], sizes = [1024, 128], strides = [1, 1]} : vector<1024x4096xf32> to vector<1024x128xf32>
    %add3A_378 = vector.broadcast %get3A_18 : vector<1024x1xf32> to vector<1024x128xf32>
    %add3A_379 = arith.addf %add3A_378, %slice3A_377 : vector<1024x128xf32>
    %slice3A_380 = vector.extract_strided_slice %broadcast_in_dim3A {offsets = [0, 3200], sizes = [1, 128], strides = [1, 1]} : vector<1x4096xf32> to vector<1x128xf32>
    %add3A_381 = vector.broadcast %slice3A_380 : vector<1x128xf32> to vector<1024x128xf32>
    %add3A_382 = arith.addf %add3A_379, %add3A_381 : vector<1024x128xf32>
    %lt3A_383 = arith.cmpf olt, %add3A_382, %select_n3A_370 : vector<1024x128xf32>
    %select_n3A_384 = arith.select %lt3A_383, %add3A_382, %select_n3A_370 : vector<1024x128xi1>, vector<1024x128xf32>
    %slice3A_385 = vector.extract_strided_slice %get3A_21 {offsets = [0, 3200], sizes = [1, 128], strides = [1, 1]} : vector<1x4096xf32> to vector<1x128xf32>
    %add3A_386 = vector.broadcast %convert_element_type3A_30 : f32 to vector<1x128xf32>
    %add3A_387 = arith.addf %slice3A_385, %add3A_386 : vector<1x128xf32>
    %broadcast_in_dim3A_388 = vector.shape_cast %add3A_387 : vector<1x128xf32> to vector<1x128xf32>
    %broadcast_in_dim3A_389 = vector.broadcast %broadcast_in_dim3A_388 : vector<1x128xf32> to vector<1024x128xf32>
    %select_n3A_390 = arith.select %lt3A_383, %broadcast_in_dim3A_389, %select_n3A_376 : vector<1024x128xi1>, vector<1024x128xf32>
    %slice3A_391 = vector.extract_strided_slice %dot_general3A_15 {offsets = [0, 3328], sizes = [1024, 128], strides = [1, 1]} : vector<1024x4096xf32> to vector<1024x128xf32>
    %add3A_392 = vector.broadcast %get3A_18 : vector<1024x1xf32> to vector<1024x128xf32>
    %add3A_393 = arith.addf %add3A_392, %slice3A_391 : vector<1024x128xf32>
    %slice3A_394 = vector.extract_strided_slice %broadcast_in_dim3A {offsets = [0, 3328], sizes = [1, 128], strides = [1, 1]} : vector<1x4096xf32> to vector<1x128xf32>
    %add3A_395 = vector.broadcast %slice3A_394 : vector<1x128xf32> to vector<1024x128xf32>
    %add3A_396 = arith.addf %add3A_393, %add3A_395 : vector<1024x128xf32>
    %lt3A_397 = arith.cmpf olt, %add3A_396, %select_n3A_384 : vector<1024x128xf32>
    %select_n3A_398 = arith.select %lt3A_397, %add3A_396, %select_n3A_384 : vector<1024x128xi1>, vector<1024x128xf32>
    %slice3A_399 = vector.extract_strided_slice %get3A_21 {offsets = [0, 3328], sizes = [1, 128], strides = [1, 1]} : vector<1x4096xf32> to vector<1x128xf32>
    %add3A_400 = vector.broadcast %convert_element_type3A_30 : f32 to vector<1x128xf32>
    %add3A_401 = arith.addf %slice3A_399, %add3A_400 : vector<1x128xf32>
    %broadcast_in_dim3A_402 = vector.shape_cast %add3A_401 : vector<1x128xf32> to vector<1x128xf32>
    %broadcast_in_dim3A_403 = vector.broadcast %broadcast_in_dim3A_402 : vector<1x128xf32> to vector<1024x128xf32>
    %select_n3A_404 = arith.select %lt3A_397, %broadcast_in_dim3A_403, %select_n3A_390 : vector<1024x128xi1>, vector<1024x128xf32>
    %slice3A_405 = vector.extract_strided_slice %dot_general3A_15 {offsets = [0, 3456], sizes = [1024, 128], strides = [1, 1]} : vector<1024x4096xf32> to vector<1024x128xf32>
    %add3A_406 = vector.broadcast %get3A_18 : vector<1024x1xf32> to vector<1024x128xf32>
    %add3A_407 = arith.addf %add3A_406, %slice3A_405 : vector<1024x128xf32>
    %slice3A_408 = vector.extract_strided_slice %broadcast_in_dim3A {offsets = [0, 3456], sizes = [1, 128], strides = [1, 1]} : vector<1x4096xf32> to vector<1x128xf32>
    %add3A_409 = vector.broadcast %slice3A_408 : vector<1x128xf32> to vector<1024x128xf32>
    %add3A_410 = arith.addf %add3A_407, %add3A_409 : vector<1024x128xf32>
    %lt3A_411 = arith.cmpf olt, %add3A_410, %select_n3A_398 : vector<1024x128xf32>
    %select_n3A_412 = arith.select %lt3A_411, %add3A_410, %select_n3A_398 : vector<1024x128xi1>, vector<1024x128xf32>
    %slice3A_413 = vector.extract_strided_slice %get3A_21 {offsets = [0, 3456], sizes = [1, 128], strides = [1, 1]} : vector<1x4096xf32> to vector<1x128xf32>
    %add3A_414 = vector.broadcast %convert_element_type3A_30 : f32 to vector<1x128xf32>
    %add3A_415 = arith.addf %slice3A_413, %add3A_414 : vector<1x128xf32>
    %broadcast_in_dim3A_416 = vector.shape_cast %add3A_415 : vector<1x128xf32> to vector<1x128xf32>
    %broadcast_in_dim3A_417 = vector.broadcast %broadcast_in_dim3A_416 : vector<1x128xf32> to vector<1024x128xf32>
    %select_n3A_418 = arith.select %lt3A_411, %broadcast_in_dim3A_417, %select_n3A_404 : vector<1024x128xi1>, vector<1024x128xf32>
    %slice3A_419 = vector.extract_strided_slice %dot_general3A_15 {offsets = [0, 3584], sizes = [1024, 128], strides = [1, 1]} : vector<1024x4096xf32> to vector<1024x128xf32>
    %add3A_420 = vector.broadcast %get3A_18 : vector<1024x1xf32> to vector<1024x128xf32>
    %add3A_421 = arith.addf %add3A_420, %slice3A_419 : vector<1024x128xf32>
    %slice3A_422 = vector.extract_strided_slice %broadcast_in_dim3A {offsets = [0, 3584], sizes = [1, 128], strides = [1, 1]} : vector<1x4096xf32> to vector<1x128xf32>
    %add3A_423 = vector.broadcast %slice3A_422 : vector<1x128xf32> to vector<1024x128xf32>
    %add3A_424 = arith.addf %add3A_421, %add3A_423 : vector<1024x128xf32>
    %lt3A_425 = arith.cmpf olt, %add3A_424, %select_n3A_412 : vector<1024x128xf32>
    %select_n3A_426 = arith.select %lt3A_425, %add3A_424, %select_n3A_412 : vector<1024x128xi1>, vector<1024x128xf32>
    %slice3A_427 = vector.extract_strided_slice %get3A_21 {offsets = [0, 3584], sizes = [1, 128], strides = [1, 1]} : vector<1x4096xf32> to vector<1x128xf32>
    %add3A_428 = vector.broadcast %convert_element_type3A_30 : f32 to vector<1x128xf32>
    %add3A_429 = arith.addf %slice3A_427, %add3A_428 : vector<1x128xf32>
    %broadcast_in_dim3A_430 = vector.shape_cast %add3A_429 : vector<1x128xf32> to vector<1x128xf32>
    %broadcast_in_dim3A_431 = vector.broadcast %broadcast_in_dim3A_430 : vector<1x128xf32> to vector<1024x128xf32>
    %select_n3A_432 = arith.select %lt3A_425, %broadcast_in_dim3A_431, %select_n3A_418 : vector<1024x128xi1>, vector<1024x128xf32>
    %slice3A_433 = vector.extract_strided_slice %dot_general3A_15 {offsets = [0, 3712], sizes = [1024, 128], strides = [1, 1]} : vector<1024x4096xf32> to vector<1024x128xf32>
    %add3A_434 = vector.broadcast %get3A_18 : vector<1024x1xf32> to vector<1024x128xf32>
    %add3A_435 = arith.addf %add3A_434, %slice3A_433 : vector<1024x128xf32>
    %slice3A_436 = vector.extract_strided_slice %broadcast_in_dim3A {offsets = [0, 3712], sizes = [1, 128], strides = [1, 1]} : vector<1x4096xf32> to vector<1x128xf32>
    %add3A_437 = vector.broadcast %slice3A_436 : vector<1x128xf32> to vector<1024x128xf32>
    %add3A_438 = arith.addf %add3A_435, %add3A_437 : vector<1024x128xf32>
    %lt3A_439 = arith.cmpf olt, %add3A_438, %select_n3A_426 : vector<1024x128xf32>
    %select_n3A_440 = arith.select %lt3A_439, %add3A_438, %select_n3A_426 : vector<1024x128xi1>, vector<1024x128xf32>
    %slice3A_441 = vector.extract_strided_slice %get3A_21 {offsets = [0, 3712], sizes = [1, 128], strides = [1, 1]} : vector<1x4096xf32> to vector<1x128xf32>
    %add3A_442 = vector.broadcast %convert_element_type3A_30 : f32 to vector<1x128xf32>
    %add3A_443 = arith.addf %slice3A_441, %add3A_442 : vector<1x128xf32>
    %broadcast_in_dim3A_444 = vector.shape_cast %add3A_443 : vector<1x128xf32> to vector<1x128xf32>
    %broadcast_in_dim3A_445 = vector.broadcast %broadcast_in_dim3A_444 : vector<1x128xf32> to vector<1024x128xf32>
    %select_n3A_446 = arith.select %lt3A_439, %broadcast_in_dim3A_445, %select_n3A_432 : vector<1024x128xi1>, vector<1024x128xf32>
    %slice3A_447 = vector.extract_strided_slice %dot_general3A_15 {offsets = [0, 3840], sizes = [1024, 128], strides = [1, 1]} : vector<1024x4096xf32> to vector<1024x128xf32>
    %add3A_448 = vector.broadcast %get3A_18 : vector<1024x1xf32> to vector<1024x128xf32>
    %add3A_449 = arith.addf %add3A_448, %slice3A_447 : vector<1024x128xf32>
    %slice3A_450 = vector.extract_strided_slice %broadcast_in_dim3A {offsets = [0, 3840], sizes = [1, 128], strides = [1, 1]} : vector<1x4096xf32> to vector<1x128xf32>
    %add3A_451 = vector.broadcast %slice3A_450 : vector<1x128xf32> to vector<1024x128xf32>
    %add3A_452 = arith.addf %add3A_449, %add3A_451 : vector<1024x128xf32>
    %lt3A_453 = arith.cmpf olt, %add3A_452, %select_n3A_440 : vector<1024x128xf32>
    %select_n3A_454 = arith.select %lt3A_453, %add3A_452, %select_n3A_440 : vector<1024x128xi1>, vector<1024x128xf32>
    %slice3A_455 = vector.extract_strided_slice %get3A_21 {offsets = [0, 3840], sizes = [1, 128], strides = [1, 1]} : vector<1x4096xf32> to vector<1x128xf32>
    %add3A_456 = vector.broadcast %convert_element_type3A_30 : f32 to vector<1x128xf32>
    %add3A_457 = arith.addf %slice3A_455, %add3A_456 : vector<1x128xf32>
    %broadcast_in_dim3A_458 = vector.shape_cast %add3A_457 : vector<1x128xf32> to vector<1x128xf32>
    %broadcast_in_dim3A_459 = vector.broadcast %broadcast_in_dim3A_458 : vector<1x128xf32> to vector<1024x128xf32>
    %select_n3A_460 = arith.select %lt3A_453, %broadcast_in_dim3A_459, %select_n3A_446 : vector<1024x128xi1>, vector<1024x128xf32>
    %slice3A_461 = vector.extract_strided_slice %dot_general3A_15 {offsets = [0, 3968], sizes = [1024, 128], strides = [1, 1]} : vector<1024x4096xf32> to vector<1024x128xf32>
    %add3A_462 = vector.broadcast %get3A_18 : vector<1024x1xf32> to vector<1024x128xf32>
    %add3A_463 = arith.addf %add3A_462, %slice3A_461 : vector<1024x128xf32>
    %slice3A_464 = vector.extract_strided_slice %broadcast_in_dim3A {offsets = [0, 3968], sizes = [1, 128], strides = [1, 1]} : vector<1x4096xf32> to vector<1x128xf32>
    %add3A_465 = vector.broadcast %slice3A_464 : vector<1x128xf32> to vector<1024x128xf32>
    %add3A_466 = arith.addf %add3A_463, %add3A_465 : vector<1024x128xf32>
    %lt3A_467 = arith.cmpf olt, %add3A_466, %select_n3A_454 : vector<1024x128xf32>
    %select_n3A_468 = arith.select %lt3A_467, %add3A_466, %select_n3A_454 : vector<1024x128xi1>, vector<1024x128xf32>
    %slice3A_469 = vector.extract_strided_slice %get3A_21 {offsets = [0, 3968], sizes = [1, 128], strides = [1, 1]} : vector<1x4096xf32> to vector<1x128xf32>
    %add3A_470 = vector.broadcast %convert_element_type3A_30 : f32 to vector<1x128xf32>
    %add3A_471 = arith.addf %slice3A_469, %add3A_470 : vector<1x128xf32>
    %broadcast_in_dim3A_472 = vector.shape_cast %add3A_471 : vector<1x128xf32> to vector<1x128xf32>
    %broadcast_in_dim3A_473 = vector.broadcast %broadcast_in_dim3A_472 : vector<1x128xf32> to vector<1024x128xf32>
    %select_n3A_474 = arith.select %lt3A_467, %broadcast_in_dim3A_473, %select_n3A_460 : vector<1024x128xi1>, vector<1024x128xf32>
    %swap3A = arith.constant 0 : index
    %swap3A_475 = arith.constant 0 : index
    %swap3A_476 = vector.load %arg8[%swap3A, %swap3A_475] : memref<1024x128xf32, #tpu.memory_space<vmem>>, vector<1024x128xf32>
    tpu.vector_store %arg8[%swap3A, %swap3A_475], %select_n3A_468 {strides = array<i32>} : memref<1024x128xf32, #tpu.memory_space<vmem>>, vector<1024x128xf32>,
    %swap3A_477 = arith.constant 0 : index
    %swap3A_478 = arith.constant 0 : index
    %swap3A_479 = vector.load %arg9[%swap3A_477, %swap3A_478] : memref<1024x128xf32, #tpu.memory_space<vmem>>, vector<1024x128xf32>
    tpu.vector_store %arg9[%swap3A_477, %swap3A_478], %select_n3A_474 {strides = array<i32>} : memref<1024x128xf32, #tpu.memory_space<vmem>>, vector<1024x128xf32>,
    %transpose3A = tpu.transpose %get3A_10, [1, 0] : vector<256x4096xf32> -> vector<4096x256xf32>
    %swap3A_480 = arith.constant 0 : index
    %swap3A_481 = arith.constant 0 : index
    %swap3A_482 = vector.load %arg6[%swap3A_480, %swap3A_481] : memref<4096x256xf32, #tpu.memory_space<vmem>>, vector<4096x256xf32>
    tpu.vector_store %arg6[%swap3A_480, %swap3A_481], %transpose3A {strides = array<i32>} : memref<4096x256xf32, #tpu.memory_space<vmem>>, vector<4096x256xf32>,
    %eq3A_483 = arith.constant 1 : i32
    %eq3A_484 = arith.cmpi eq, %arg1, %eq3A_483 : i32
    %convert_element_type3A_485 = arith.extui %eq3A_484 : i1 to i32
    %cond3A_486 = arith.constant 0 : i32
    %cond3A_487 = arith.cmpi ne, %convert_element_type3A_485, %cond3A_486 : i32
    scf.if %cond3A_487 {
      %get3A_488 = arith.constant 0 : index
      %get3A_489 = arith.constant 0 : index
      %get3A_490 = vector.load %arg8[%get3A_488, %get3A_489] : memref<1024x128xf32, #tpu.memory_space<vmem>>, vector<1024x128xf32>
      %get3A_491 = arith.constant 0 : index
      %get3A_492 = arith.constant 0 : index
      %get3A_493 = vector.load %arg9[%get3A_491, %get3A_492] : memref<1024x128xf32, #tpu.memory_space<vmem>>, vector<1024x128xf32>
      %reduce_min3A = arith.constant dense<0x7F800000> : vector<1024xf32>
      %reduce_min3A_494 = vector.multi_reduction <minimumf>, %get3A_490, %reduce_min3A [1] : vector<1024x128xf32> to vector<1024xf32>
      %broadcast_in_dim3A_495 = vector.shape_cast %reduce_min3A_494 : vector<1024xf32> to vector<1024x1xf32>
      %eq3A_496 = vector.broadcast %broadcast_in_dim3A_495 : vector<1024x1xf32> to vector<1024x128xf32>
      %eq3A_497 = arith.cmpf oeq, %get3A_490, %eq3A_496 : vector<1024x128xf32>
      %jit3A = arith.constant 8.192000e+03 : f32
      %broadcast_in_dim3A_498 = vector.broadcast %jit3A : f32 to vector<1024x128xf32>
      %select_n3A_499 = arith.select %eq3A_497, %get3A_493, %broadcast_in_dim3A_498 : vector<1024x128xi1>, vector<1024x128xf32>
      %reduce_min3A_500 = arith.constant dense<0x7F800000> : vector<1024xf32>
      %reduce_min3A_501 = vector.multi_reduction <minimumf>, %select_n3A_499, %reduce_min3A_500 [1] : vector<1024x128xf32> to vector<1024xf32>
      %broadcast_in_dim3A_502 = vector.shape_cast %reduce_min3A_501 : vector<1024xf32> to vector<1024x1xf32>
      %convert_element_type3A_503 = arith.fptosi %broadcast_in_dim3A_502 : vector<1024x1xf32> to vector<1024x1xi32>
      %mul3A_504 = arith.constant 8192 : i32
      %mul3A_505 = arith.muli %arg0, %mul3A_504 : i32
      %add3A_506 = vector.broadcast %mul3A_505 : i32 to vector<1024x1xi32>
      %add3A_507 = arith.addi %convert_element_type3A_503, %add3A_506 : vector<1024x1xi32>
      %reshape3A = vector.shape_cast %add3A_507 : vector<1024x1xi32> to vector<1024xi32>
      %swap3A_508 = arith.constant 0 : index
      %swap3A_509 = vector.load %arg5[%swap3A_508] : memref<1024xi32, #tpu.memory_space<vmem>>, vector<1024xi32>
      tpu.vector_store %arg5[%swap3A_508], %reshape3A {strides = array<i32>} : memref<1024xi32, #tpu.memory_space<vmem>>, vector<1024xi32>,
    } else {
    }
    return
  }
  func.func @transform_0(%arg0: i32, %arg1: i32) -> (i32, i32, i32) {
    %c0_i32 = arith.constant 0 : i32
    %c0_i32_0 = arith.constant 0 : i32
    %c0_i32_1 = arith.constant 0 : i32
    return %arg0, %c0_i32, %c0_i32_0 : i32, i32, i32
  }
  func.func @transform_1(%arg0: i32, %arg1: i32) -> (i32, i32, i32) {
    %c0_i32 = arith.constant 0 : i32
    %c0_i32_0 = arith.constant 0 : i32
    return %arg0, %c0_i32, %arg1 : i32, i32, i32
  }
  func.func @transform_2(%arg0: i32, %arg1: i32) -> (i32, i32) {
    %c0_i32 = arith.constant 0 : i32
    %c0_i32_0 = arith.constant 0 : i32
    %c0_i32_1 = arith.constant 0 : i32
    return %c0_i32, %c0_i32_0 : i32, i32
  }
  func.func @transform_3(%arg0: i32, %arg1: i32) -> i32 {
    %c0_i32 = arith.constant 0 : i32
    return %arg0 : i32
  }
  func.func @transform_4(%arg0: i32, %arg1: i32) -> (i32, i32) {
    %mul3A = arith.constant 2 : i32
    %mul3A_0 = arith.muli %arg0, %mul3A : i32
    %add3A = arith.addi %mul3A_0, %arg1 : i32
    %c0_i32 = arith.constant 0 : i32
    %c0_i32_1 = arith.constant 0 : i32
    return %add3A, %c0_i32 : i32, i32
  }
}

</mosaic_0001>

<sc_bundles>
// kernel: kernel.4.cloned.1.call-start
scs
__scs_entry_jumppad:
0x0: {  	(pc) =	sbr.rel $0x88, $3  }
0x1: {  	(tag) =	ssettag $0x0;
	lr =	simm.s32 $0x1  }
0x2: {  	[smem:$0x3F9F] =	sst lr;
	_ =	strace $0xD0000000  }
0x3: {  	_ = 	snop  }
0x4: {  	_ = 	snop  }
0x5: {  	_ = 	snop  }
0x6: {  	_ = 	snop  }
0x7: {  	_ = 	snop  }
__scs_overlays_trampoline_lowered:
0x8: {  	[smem:$0x3FAE] =	sst s0  }
0x9: {  	[smem:$0x3FAF] =	sst s1  }
0xa: {  	[smem:$0x3FB0] =	sst s2  }
0xb: {  	[smem:$0x3FB1] =	sst s3  }
0xc: {  	[smem:$0x3FB2] =	sst s4  }
0xd: {  	[smem:$0x3FB3] =	sst s5  }
0xe: {  	[smem:$0x3FB4] =	sst s6  }
0xf: {  	[smem:$0x3FB5] =	sst s7  }
0x10: {  	[smem:$0x3FB6] =	sst s8  }
0x11: {  	[smem:$0x3FB7] =	sst s9;
	s0 =	simm.s32 @!p0 $0x0  }
0x12: {  	s1 =	sld [smem:$0x3F9D];
	s0 =	simm.s32 @p0 $0x1  }
0x13: {  	[smem:$0x3FB8] =	sst s0;
	s0 =	simm.s32 @!p1 $0x0  }
0x14: {  	s2 =	sld [smem:$0x3F9C];
	s0 =	simm.s32 @p1 $0x1  }
0x15: {  	[smem:$0x3FB9] =	sst s0;
	s0 =	simm.s32 @!p2 $0x0  }
0x16: {  	s3 =	sld [smem:$0x3FDB];
	s0 =	simm.s32 @p2 $0x1  }
0x17: {  	s4 =	simm.s32 $0x1BF5;
	[smem:$0x3FBB] =	sst s0  }
0x18: {  	s0 =	sld [smem:$0x3F9E];
	_ =	swait.ge [sflag:s4], $0x0  }
0x19: {  	s7 =	sld [smem:$0x3F9F]  }
0x1a: {  	s8 =	sadd.s32 $0xFFFFE003, lr  }
0x1b: {  	s9 =	sadd.s32 $0xFFFFFEF7, lr;
	s5 =	simm.s32 $0xFFFFFFFF;
	p2 =	slt.u32 s8, $0xFFFFF086  }
0x1c: {  	p1 =	slt.u32 s9, $0xF7A;
	s5 =	simm.s32 @!p2 $0x0  }
0x1d: {  	s5 =	simm.s32 @p1 $0x1;
	p0 =	seq.s32 s7, s2  }
0x1e: {  	s7 =	smul.u32 @!p0 $0xF7A, s2;
	p2 =	seq.s32 @!p0 s5, $0x0  }
0x1f: {  	s9 =	smul.u32 $0xF7A, s1;
	s8 =	simm.s32 @!p0 $0x1BF5;
	p2 =	por !p2, p0  }
0x20: {  	[sflag:s8] =	ssyncset.s32 @!p0 $0xFFFFF086;
	s6 =	sadd.s32 @!p0 s3, s7;
	s7 =	simm.s32 @!p0 $0x108  }
0x21: {  	s3 =	sadd.s32 s3, s9;
	s6 =	sadd.s32 @!p0 $0x88, s6;
	s7 =	simm.s32 @p2 $0x1082  }
0x22: {  	[simem:s7], [sflag:s8] =	dma.local @!p0 [hbm:s6], $0xF7A  }
0x23: {  	s9 =	sor.u32 $0xD0000000, s2;
	s6 =	simm.s32 $0x108;
	_ =	swait.ge @!p0 [sflag:s8], $0x0  }
0x24: {  	s3 =	sadd.s32 $0x88, s3;
	s6 =	simm.s32 @!p1 $0x1082;
	[sflag:s4] =	ssyncset.s32 $0xFFFFF086  }
0x25: {  	[simem:s6], [sflag:s4] =	dma.local [hbm:s3], $0xF7A  }
0x26: {  	[smem:$0x3F9F] =	sst s1;
	(tag) =	ssettag s2;
	_ =	strace s9  }
0x27: {  	s1 =	sld [smem:$0x3FAF]  }
0x28: {  	s2 =	sld [smem:$0x3FB0]  }
0x29: {  	s4 =	sld [smem:$0x3FB2]  }
0x2a: {  	p0 =	seq.s32 s5, $0x0;
	s5 =	sld [smem:$0x3FB3]  }
0x2b: {  	s6 =	sld [smem:$0x3FB4]  }
0x2c: {  	s7 =	sld [smem:$0x3FB5]  }
0x2d: {  	s3 =	simm.s32 $0x108;
	s8 =	sld [smem:$0x3FB6]  }
0x2e: {  	s3 =	simm.s32 @!p0 $0x1082;
	s9 =	sld [smem:$0x3FB7]  }
0x2f: {  	lr =	sadd.s32 s0, s3;
	s0 =	sld [smem:$0x3FAE]  }
0x30: {  	s3 =	sld [smem:$0x3FB1]  }
0x31: {  	[smem:$0x3FBA] =	sst s10  }
0x32: {  	s10 =	sld [smem:$0x3FB8];
	_ =	sdelay $0x3  }
0x33: {  	p0 =	seq.s32 s10, $0x1;
	s10 =	sld [smem:$0x3FBA];
	_ =	sdelay $0x3  }
0x34: {  	[smem:$0x3FBA] =	sst s10  }
0x35: {  	s10 =	sld [smem:$0x3FB9];
	_ =	sdelay $0x3  }
0x36: {  	p1 =	seq.s32 s10, $0x1;
	s10 =	sld [smem:$0x3FBA];
	_ =	sdelay $0x3  }
0x37: {  	[smem:$0x3FBA] =	sst s10  }
0x38: {  	s10 =	sld [smem:$0x3FBB]  }
0x39: {  	_ = 	snop;
	(pc) =	sbr.ind lr, $3  }
0x3a: {  	_ = 	snop  }
0x3b: {  	_ = 	snop  }
0x3c: {  	p2 =	seq.s32 s10, $0x1;
	s10 =	sld [smem:$0x3FBA]  }
0x3d: {  	_ =	shalt  }
0x3e: {  	_ =	shalt  }
0x3f: {  	_ =	shalt  }
0x40: {  	_ =	shalt  }
0x41: {  	_ =	shalt  }
0x42: {  	_ =	shalt  }
0x43: {  	_ =	shalt  }
0x44: {  	_ =	shalt  }
0x45: {  	_ =	shalt  }
0x46: {  	_ =	shalt  }
0x47: {  	_ =	shalt  }
0x48: {  	_ =	shalt  }
0x49: {  	_ =	shalt  }
0x4a: {  	_ =	shalt  }
0x4b: {  	_ =	shalt  }
0x4c: {  	_ =	shalt  }
0x4d: {  	_ =	shalt  }
0x4e: {  	_ =	shalt  }
0x4f: {  	_ =	shalt  }
0x50: {  	_ =	shalt  }
0x51: {  	_ =	shalt  }
0x52: {  	_ =	shalt  }
0x53: {  	_ =	shalt  }
0x54: {  	_ =	shalt  }
0x55: {  	_ =	shalt  }
0x56: {  	_ =	shalt  }
0x57: {  	_ =	shalt  }
0x58: {  	_ =	shalt  }
0x59: {  	_ =	shalt  }
0x5a: {  	_ =	shalt  }
0x5b: {  	_ =	shalt  }
0x5c: {  	_ =	shalt  }
0x5d: {  	_ =	shalt  }
0x5e: {  	_ =	shalt  }
0x5f: {  	_ =	shalt  }
0x60: {  	_ =	shalt  }
0x61: {  	_ =	shalt  }
0x62: {  	_ =	shalt  }
0x63: {  	_ =	shalt  }
0x64: {  	_ =	shalt  }
0x65: {  	_ =	shalt  }
0x66: {  	_ =	shalt  }
0x67: {  	_ =	shalt  }
0x68: {  	_ =	shalt  }
0x69: {  	_ =	shalt  }
0x6a: {  	_ =	shalt  }
0x6b: {  	_ =	shalt  }
0x6c: {  	_ =	shalt  }
0x6d: {  	_ =	shalt  }
0x6e: {  	_ =	shalt  }
0x6f: {  	_ =	shalt  }
0x70: {  	_ =	shalt  }
0x71: {  	_ =	shalt  }
0x72: {  	_ =	shalt  }
0x73: {  	_ =	shalt  }
0x74: {  	_ =	shalt  }
0x75: {  	_ =	shalt  }
0x76: {  	_ =	shalt  }
0x77: {  	_ =	shalt  }
0x78: {  	_ =	shalt  }
0x79: {  	_ =	shalt  }
0x7a: {  	_ =	shalt  }
0x7b: {  	_ =	shalt  }
0x7c: {  	_ =	shalt  }
0x7d: {  	_ =	shalt  }
0x7e: {  	_ =	shalt  }
0x7f: {  	_ =	shalt  }
0x80: {  	_ =	shalt  }
0x81: {  	_ =	shalt  }
0x82: {  	_ =	shalt  }
0x83: {  	_ =	shalt  }
0x84: {  	_ =	shalt  }
0x85: {  	_ =	shalt  }
0x86: {  	_ =	shalt  }
0x87: {  	_ =	shalt  }
.Lfunc_end0:
.L_simem_size_0:
called_computation_lowered:
.L_overlay_start_0:
0x88: {  	s2 =	sld [smem:$0x3FD9]  }
0x89: {  	s3 =	sld [smem:$0x3FFE];
	_ =	sdelay $0x1  }
0x8a: {  	s1 =	srdreg.scid  }
0x8b: {  	s0 =	sand.u32 $0x1, s1  }
0x8c: {  	s17 =	sshll.u32 s0, $0xA;
	s2 =	sadd.s32 s3, s2  }
0x8d: {  	s2 =	sadd.s32 s2, s17  }
0x8e: {  	[smem:$0x3FC6] =	sst s2  }
0x8f: {  	_ = 	snop  }
0x90: {  	s2 =	sld [smem:$0x3FD0];
	(tm) =	ssettm $0x1  }
0x91: {  	s18 =	sld [smem:$0x3FFB];
	_ =	sdelay $0x3  }
0x92: {  	_ =	strace s18  }
0x93: {  	s3 =	sld [smem:$0x3FFC];
	_ =	sdelay $0x3  }
0x94: {  	_ =	strace s3  }
0x95: {  	s3 =	sld [smem:$0x3FFD];
	_ =	sdelay $0x3  }
0x96: {  	_ =	strace s3  }
0x97: {  	_ =	strace $0x8FFFFFFF  }
0x98: {  	s19 =	sld [smem:$0x3FDB];
	_ =	sdelay $0x1  }
0x99: {  	s4 =	simm.s32 $_scs_section_size  }
0x9a: {  	s5 =	simm.s32 $_size__tile_overlayer_lowered;
	s6 =	simm.s32 $_tile_overlayer_lowered  }
0x9b: {  	s22 =	simm.s32 $0x1BFF;
	s21 =	sshll.u32 s6, $0x1;
	s3 =	sadd.s32 s4, s19  }
0x9c: {  	s7 =	simm.s32 $0x0;
	s20 =	sshll.u32 s5, $0x1;
	s5 =	sadd.s32 s21, s3  }
0x9d: {  	[timem:s7], [sflag:s22] =	dma.local [hbm:s5], s20  }
0x9e: {  	_ =	swait.ge [sflag:s22], s20  }
0x9f: {  	s4 =	ssub.s32 $0x0, s20;
	[sflag:s22] =	ssyncset.done $0x0  }
0xa0: {  	[sflag:s22] =	ssyncadd.s32 s4;
	_ =	sdelay $0x1  }
0xa1: {  	s23 =	simm.s32 $0x1B8B  }
0xa2: {  	_ =	swait.ge [sflag:s23], $0x1  }
0xa3: {  	[sflag:s23] =	ssyncset.done $0x0  }
0xa4: {  	s25 =	simm.s32 $0x1B8E;
	s24 =	sld [smem:$0x3FFE];
	[sflag:s23] =	ssyncadd.s32 $0xFFFFFFFF  }
0xa5: {  	s26 =	simm.s32 $execute0_lowered;
	[smem:$0x3FD2] =	sst s25  }
0xa6: {  	s5 =	sshll.u32 s26, $0x1;
	_ =	strace $0x80000046;
	[dreg:$0x1] =	wrdreg $0xFFFFFFFF  }
0xa7: {  	s28 =	simm.s32 $_size_execute0_lowered;
	s3 =	sadd.s32 s3, s5;
	[dreg:$0x0] =	wrdreg $0x0  }
0xa8: {  	s5 =	sshll.u32 s28, $0x1;
	[dreg:$0x2] =	wrdreg s3  }
0xa9: {  	[dreg:$0x3] =	wrdreg s5  }
0xaa: {  	[dreg:$0x4] =	wrdreg $0xC0  }
0xab: {  	_ =	task [dreg:s7], $0x5FFFF  }
0xac: {  	[dreg:$0x1] =	wrdreg $0xFFFFFFFF  }
0xad: {  	[dreg:$0x0] =	wrdreg $0x60  }
0xae: {  	[dreg:$0x2] =	wrdreg s24  }
0xaf: {  	[dreg:$0x3] =	wrdreg s2  }
0xb0: {  	[dreg:$0x4] =	wrdreg $0x9  }
0xb1: {  	_ =	task.clear_ibuf [dreg:s7], $0x5FFFF;
	_ =	strace $0x90000046  }
0xb2: {  	s29 =	simm.s32 $0x9;
	_ =	strace $0x80000048  }
0xb3: {  	_ =	swait.ge [sflag:s29], $0x1  }
0xb4: {  	[sflag:s29] =	ssyncadd.s32 $0xFFFFFFFF  }
0xb5: {  	_ =	strace $0x90000048  }
0xb6: {  	_ =	sfence  }
0xb7: {  	s30 =	sld [smem:$0x0];
	_ =	sdelay $0x2  }
0xb8: {  	s31 =	sshll.u32 s1, $0xD;
	s1 =	sshrl.u32 s1, $0x2  }
0xb9: {  	s3 =	sand.u32 $0x4000, s31;
	s1 =	sadd.s32 s1, s30  }
0xba: {  	s0 =	sor.u32 s3, s0;
	s1 =	sshll.u32 s1, $0x11  }
0xbb: {  	s0 =	sor.u32 s1, s0  }
0xbc: {  	s0 =	sadd.s32 $0x8F2B, s0  }
0xbd: {  	[sflag:s0] =	ssyncadd.remote.s32 $0x1  }
0xbe: {  	_ =	sfence.sel $0xFFFF  }
0xbf: {  	[dreg:$0x0] =	wrdreg $0xFFFFFFFF;
	(pc) =	sbr.abs _section_cstart, $3  }
0xc0: {  	[dreg:$0x1] =	wrdreg $0xFFFFFFFF  }
0xc1: {  	_ =	task.clear_ibuf [dreg:s7], $0x2FFFF;
	_ =	strace $0x9FFFFFFF  }
0xc2: {  	(tm) =	ssettm $0x7FFFFFFF  }
0xc3: {  	_ =	shalt  }
tec
execute0_lowered:
.L_overlay_start_1:
0x0: {  	(tag) =	ssettag $0x1  }
0x1: {  	s4 =	rddreg [dreg:$0x0]  }
0x2: {  	s5 =	rddreg [dreg:$0x1]  }
0x3: {  	s0 =	rddreg [dreg:$0x2];
	s3 =	srdreg.scid  }
0x4: {  	s2 =	simm.s32 $0x0;
	s1 =	stileid.u32;
	s10 =	simm.s32 $0x1080  }
0x5: {  	s11 =	simm.s32 $0x1880;
	s12 =	simm.s32 $0x2080;
	s13 =	simm.s32 $0x2880  }
0x6: {  	s14 =	simm.s32 $0x3080;
	s15 =	simm.s32 $0x3880;
	s16 =	simm.s32 $0x4080  }
0x7: {  	s17 =	simm.s32 $0x4880;
	s18 =	simm.s32 $0x5080;
	s19 =	simm.s32 $0x5880  }
0x8: {  	s20 =	simm.s32 $0x6080;
	s21 =	simm.s32 $0x6880;
	s22 =	simm.s32 $0x7080  }
0x9: {  	s23 =	simm.s32 $0x7880;
	s24 =	simm.s32 $0x1;
	s3 =	sand.u32 $0x1, s3  }
0xa: {  	[smem:$0x7FF] =	sst s2;
	s6 =	sshll.u32 s1, $0x8;
	s7 =	sshll.u32 s3, $0x7  }
0xb: {  	_ =	strace $0x80000047;
	s31 =	ssub.s32 $0x2, s3;
	s6 =	sor.u32 s7, s6  }
0xc: {  	s3 =	sadd.s32 $0xC00, s4;
	s9 =	sshrl.u32 s31, $0x1;
	s8 =	sshrl.u32 s6, $0x3  }
0xd: {  	v2 =	vlaneseq.u32;
	s7 =	ssub.s32 s31, s9;
	s6 =	sshll.u32 s6, $0x5;
	s9 =	simm.s32 $0x880  }
0xe: {  	vm0 =	vmmov $0xffff;
	v1 =	vshrl.u32 v2, $0x3;
	s4 =	sadd.s32 s8, s4;
	s5 =	sadd.s32 s5, s6;
	s6 =	smax.u32 s7, $0x1  }
0xf: {  	v0 =	vand.u32 $0x7, v2;
	v2 =	vor.u32 $0x8, v2;
	v1 =	vmul.u32 $0x8, v1;
	s7 =	simm.s32 $0x2;
	s8 =	simm.s32 $0x80;
	s4 =	sadd.s32 $0x100C00, s4  }
.LBB2_1:
0x10: {  	[tilespmem:s2], [sflag:$0x2] =	stream.linear.gather [hbm4b:s4+s2], $0x80, $0x38;
	[tilespmem:$0x8080] =	vst v63  }
0x11: {  	_ =	swait.ge [sflag:s7], $0x80  }
0x12: {  	[sflag:s7] =	ssyncset.done $0x0  }
0x13: {  	[sflag:s7] =	ssyncadd.s32 $0xFFFFFF80  }
0x14: {  	v3 =	vld [tilespmem:$0x0];
	_ =	sdelay $0x4  }
0x15: {  	v4 =	vshll.u32 v3, $0x1  }
0x16: {  	v3 =	vand.u32 $0x7, v3;
	v4 =	vand.u32 $0xFFFFFFF0, v4  }
0x17: {  	v3 =	vor.u32 v3, v4  }
0x18: {  	v4 =	vperm.xlane v3, v0;
	_ =	sdelay $0x1  }
0x19: {  	v3 =	vperm.xlane v3, v2;
	v4 =	vadd.s32 v1, v4;
	_ =	sdelay $0x1  }
0x1a: {  	v3 =	vadd.s32 v1, v3;
	_ =	sdelay $0x2  }
0x1b: {  	[tilespmem:s8], [sflag:$0x1] =	stream.indirect_vreg.gather [hbm4b:s3+s2], $0x80, v4, vm0, $0xb8;
	[tilespmem:$0x8080] =	vst v63  }
0x1c: {  	_ = 	snop  }
0x1d: {  	[tilespmem:s9], [sflag:$0x1] =	stream.indirect_vreg.gather [hbm4b:s3+s2], $0x80, v3, vm0, $0xb8;
	[tilespmem:$0x8080] =	vst v63  }
0x1e: {  	v3 =	vld [tilespmem:$0x10];
	_ =	sdelay $0x4  }
0x1f: {  	v57 =	vshll.u32 v3, $0x1  }
0x20: {  	v3 =	vand.u32 $0x7, v3;
	v4 =	vand.u32 $0xFFFFFFF0, v57  }
0x21: {  	v3 =	vor.u32 v3, v4  }
0x22: {  	v4 =	vperm.xlane v3, v0;
	_ =	sdelay $0x1  }
0x23: {  	v3 =	vperm.xlane v3, v2;
	v4 =	vadd.s32 v1, v4;
	_ =	sdelay $0x1  }
0x24: {  	v3 =	vadd.s32 v1, v3;
	_ =	sdelay $0x2  }
0x25: {  	[tilespmem:s10], [sflag:$0x1] =	stream.indirect_vreg.gather [hbm4b:s3+s2], $0x80, v4, vm0, $0xb8;
	[tilespmem:$0x8080] =	vst v63  }
0x26: {  	_ = 	snop  }
0x27: {  	[tilespmem:s11], [sflag:$0x1] =	stream.indirect_vreg.gather [hbm4b:s3+s2], $0x80, v3, vm0, $0xb8;
	[tilespmem:$0x8080] =	vst v63  }
0x28: {  	v3 =	vld [tilespmem:$0x20];
	_ =	sdelay $0x4  }
0x29: {  	v58 =	vshll.u32 v3, $0x1  }
0x2a: {  	v3 =	vand.u32 $0x7, v3;
	v4 =	vand.u32 $0xFFFFFFF0, v58  }
0x2b: {  	v3 =	vor.u32 v3, v4  }
0x2c: {  	v4 =	vperm.xlane v3, v0;
	_ =	sdelay $0x1  }
0x2d: {  	v3 =	vperm.xlane v3, v2;
	v4 =	vadd.s32 v1, v4;
	_ =	sdelay $0x1  }
0x2e: {  	v3 =	vadd.s32 v1, v3;
	_ =	sdelay $0x2  }
0x2f: {  	[tilespmem:s12], [sflag:$0x1] =	stream.indirect_vreg.gather [hbm4b:s3+s2], $0x80, v4, vm0, $0xb8;
	[tilespmem:$0x8080] =	vst v63  }
0x30: {  	_ = 	snop  }
0x31: {  	[tilespmem:s13], [sflag:$0x1] =	stream.indirect_vreg.gather [hbm4b:s3+s2], $0x80, v3, vm0, $0xb8;
	[tilespmem:$0x8080] =	vst v63  }
0x32: {  	v3 =	vld [tilespmem:$0x30];
	_ =	sdelay $0x4  }
0x33: {  	v59 =	vshll.u32 v3, $0x1  }
0x34: {  	v3 =	vand.u32 $0x7, v3;
	v4 =	vand.u32 $0xFFFFFFF0, v59  }
0x35: {  	v3 =	vor.u32 v3, v4  }
0x36: {  	v4 =	vperm.xlane v3, v0;
	_ =	sdelay $0x1  }
0x37: {  	v3 =	vperm.xlane v3, v2;
	v4 =	vadd.s32 v1, v4;
	_ =	sdelay $0x1  }
0x38: {  	v3 =	vadd.s32 v1, v3;
	_ =	sdelay $0x2  }
0x39: {  	[tilespmem:s14], [sflag:$0x1] =	stream.indirect_vreg.gather [hbm4b:s3+s2], $0x80, v4, vm0, $0xb8;
	[tilespmem:$0x8080] =	vst v63  }
0x3a: {  	_ = 	snop  }
0x3b: {  	[tilespmem:s15], [sflag:$0x1] =	stream.indirect_vreg.gather [hbm4b:s3+s2], $0x80, v3, vm0, $0xb8;
	[tilespmem:$0x8080] =	vst v63  }
0x3c: {  	v3 =	vld [tilespmem:$0x40];
	_ =	sdelay $0x4  }
0x3d: {  	v60 =	vshll.u32 v3, $0x1  }
0x3e: {  	v3 =	vand.u32 $0x7, v3;
	v4 =	vand.u32 $0xFFFFFFF0, v60  }
0x3f: {  	v3 =	vor.u32 v3, v4  }
0x40: {  	v4 =	vperm.xlane v3, v0;
	_ =	sdelay $0x1  }
0x41: {  	v3 =	vperm.xlane v3, v2;
	v4 =	vadd.s32 v1, v4;
	_ =	sdelay $0x1  }
0x42: {  	v3 =	vadd.s32 v1, v3;
	_ =	sdelay $0x2  }
0x43: {  	[tilespmem:s16], [sflag:$0x1] =	stream.indirect_vreg.gather [hbm4b:s3+s2], $0x80, v4, vm0, $0xb8;
	[tilespmem:$0x8080] =	vst v63  }
0x44: {  	_ = 	snop  }
0x45: {  	[tilespmem:s17], [sflag:$0x1] =	stream.indirect_vreg.gather [hbm4b:s3+s2], $0x80, v3, vm0, $0xb8;
	[tilespmem:$0x8080] =	vst v63  }
0x46: {  	v3 =	vld [tilespmem:$0x50];
	_ =	sdelay $0x4  }
0x47: {  	v61 =	vshll.u32 v3, $0x1  }
0x48: {  	v3 =	vand.u32 $0x7, v3;
	v4 =	vand.u32 $0xFFFFFFF0, v61  }
0x49: {  	v3 =	vor.u32 v3, v4  }
0x4a: {  	v4 =	vperm.xlane v3, v0;
	_ =	sdelay $0x1  }
0x4b: {  	v3 =	vperm.xlane v3, v2;
	v4 =	vadd.s32 v1, v4;
	_ =	sdelay $0x1  }
0x4c: {  	v3 =	vadd.s32 v1, v3;
	_ =	sdelay $0x2  }
0x4d: {  	[tilespmem:s18], [sflag:$0x1] =	stream.indirect_vreg.gather [hbm4b:s3+s2], $0x80, v4, vm0, $0xb8;
	[tilespmem:$0x8080] =	vst v63  }
0x4e: {  	_ = 	snop  }
0x4f: {  	[tilespmem:s19], [sflag:$0x1] =	stream.indirect_vreg.gather [hbm4b:s3+s2], $0x80, v3, vm0, $0xb8;
	[tilespmem:$0x8080] =	vst v63  }
0x50: {  	v3 =	vld [tilespmem:$0x60];
	_ =	sdelay $0x4  }
0x51: {  	v62 =	vshll.u32 v3, $0x1  }
0x52: {  	v3 =	vand.u32 $0x7, v3;
	v4 =	vand.u32 $0xFFFFFFF0, v62  }
0x53: {  	v3 =	vor.u32 v3, v4  }
0x54: {  	v4 =	vperm.xlane v3, v0;
	_ =	sdelay $0x1  }
0x55: {  	v3 =	vperm.xlane v3, v2;
	v4 =	vadd.s32 v1, v4;
	_ =	sdelay $0x1  }
0x56: {  	v3 =	vadd.s32 v1, v3;
	_ =	sdelay $0x2  }
0x57: {  	[tilespmem:s20], [sflag:$0x1] =	stream.indirect_vreg.gather [hbm4b:s3+s2], $0x80, v4, vm0, $0xb8;
	[tilespmem:$0x8080] =	vst v63  }
0x58: {  	_ = 	snop  }
0x59: {  	[tilespmem:s21], [sflag:$0x1] =	stream.indirect_vreg.gather [hbm4b:s3+s2], $0x80, v3, vm0, $0xb8;
	[tilespmem:$0x8080] =	vst v63  }
0x5a: {  	v3 =	vld [tilespmem:$0x70];
	_ =	sdelay $0x4  }
0x5b: {  	v63 =	vshll.u32 v3, $0x1  }
0x5c: {  	v3 =	vand.u32 $0x7, v3;
	v4 =	vand.u32 $0xFFFFFFF0, v63  }
0x5d: {  	v3 =	vor.u32 v3, v4  }
0x5e: {  	v4 =	vperm.xlane v3, v0;
	_ =	sdelay $0x1  }
0x5f: {  	v3 =	vperm.xlane v3, v2;
	v4 =	vadd.s32 v1, v4;
	_ =	sdelay $0x1  }
0x60: {  	v3 =	vadd.s32 v1, v3;
	_ =	sdelay $0x2  }
0x61: {  	[tilespmem:s22], [sflag:$0x1] =	stream.indirect_vreg.gather [hbm4b:s3+s2], $0x80, v4, vm0, $0xb8;
	[tilespmem:$0x8080] =	vst v63  }
0x62: {  	_ = 	snop  }
0x63: {  	[tilespmem:s23], [sflag:$0x1] =	stream.indirect_vreg.gather [hbm4b:s3+s2], $0x80, v3, vm0, $0xb8;
	[tilespmem:$0x8080] =	vst v63  }
0x64: {  	_ =	swait.ge [sflag:s24], $0x8000  }
0x65: {  	p0 =	sne.s32 s6, $0x1;
	[sflag:s24] =	ssyncset.done $0x0  }
.Ltmp0:
0x66: {  	[sflag:s24] =	ssyncadd.s32 $0xFFFF8000;
	(pc) =	sbr.rel @p0 .LBB2_1-.Ltmp0, $4  }
0x67: {  	[hbm4b:s5+s2] =	stream.linear.scatter [tilespmem:s8], [sflag:$0x2], $0x8000, $0x38;
	[tilespmem:$0x8080] =	vst v63  }
0x68: {  	_ =	swait.ge [sflag:s7], $0x8000  }
0x69: {  	[sflag:s7] =	ssyncset.done $0x0  }
0x6a: {  	s6 =	sadd.s32 $0xFFFFFFFF, s6;
	[sflag:s7] =	ssyncadd.s32 $0xFFFF8000  }
0x6b: {  	_ =	sfence.sel $0x180000  }
0x6c: {  	[bflag:$0x0] =	sbarrier.arrive $0xFFFF  }
0x6d: {  	p0 =	sne.s32 s1, $0x0;
	_ =	strace $0x90000047  }
0x6e: {  	s0 =	sadd.s32 @!p0 $0x100000, s0;
	[bflag:$0x2] =	sbarrier.arrive $0xFFFF  }
0x6f: {  	[sflag:s0] =	ssyncadd.tile.s32 @!p0 $0x1;
	_ =	shalt  }
.Lfunc_end2:
_tile_overlayer_lowered:
.L_overlay_start_2:
0x70: {  	(tag) =	ssettag $0x2  }
0x71: {  	s0 =	rddreg [dreg:$0x0];
	s2 =	stileid.u32  }
0x72: {  	s1 =	rddreg [dreg:$0x1];
	p0 =	sne.s32 s2, $0x0  }
0x73: {  	s3 =	rddreg [dreg:$0x2];
	[bflag:$0x3] =	sbarrier.arrive $0xFFFF;
	s2 =	simm.s32 @!p0 $0x1C02  }
0x74: {  	[timem:s3], [sflag:s2] =	dma.local @!p0 [hbm:s0], s1  }
0x75: {  	s0 =	simm.s32 @!p0 $0x2  }
0x76: {  	_ =	swait.ge @!p0 [sflag:s0], s1  }
0x77: {  	s1 =	ssub.s32 @!p0 $0x0, s1;
	[sflag:s0] =	ssyncset.done @!p0 $0x0  }
0x78: {  	[sflag:s0] =	ssyncadd.s32 @!p0 s1  }
0x79: {  	[bflag:$0x3] =	sbarrier.arrive $0xFFFF  }
0x7a: {  	_ =	shalt  }

</sc_bundles>
